<compile_context>
chip_gen: v7x
topology: tpu7x:2x2x1
jax: 0.10.2.dev20260603
libtpu: 0.0.44.dev20260713+nightly
codegen_flags: <defaults>
</compile_context>

<pallas_src>
import functools

import jax
import jax.numpy as jnp
from jax import lax
from jax.experimental import pallas as pl
from jax.experimental.pallas import tpu as pltpu
from jax.experimental.pallas import tpu_sc as plsc

N_CELL = 1000
NPAD = 1024
NCH = NPAD // 16
OFF = 112
WORK = OFF + NPAD + 112
BIGP = 1 << 29
MAXEV = 100
NSLICE = 16
UNROLL = 8


def _nms_sc(xr):
    mesh = plsc.VectorSubcoreMesh(
        core_axis_name="c", subcore_axis_name="s", num_cores=1)

    @functools.partial(
        pl.kernel,
        out_type=jax.ShapeDtypeStruct((NSLICE * 2 * N_CELL,), jnp.float32),
        mesh=mesh,
        compiler_params=pltpu.CompilerParams(needs_layout_passes=False),
        scratch_types=[
            pltpu.VMEM((NPAD,), jnp.float32),
            pltpu.VMEM((NPAD,), jnp.float32),
            pltpu.VMEM((WORK,), jnp.float32),
            pltpu.VMEM((WORK,), jnp.int32),
            pltpu.VMEM((WORK,), jnp.float32),
            pltpu.VMEM((WORK,), jnp.int32),
            pltpu.VMEM((WORK,), jnp.float32),
            pltpu.VMEM((WORK,), jnp.int32),
            pltpu.VMEM((NPAD,), jnp.int32),
            pltpu.VMEM((NPAD,), jnp.int32),
            pltpu.VMEM((NPAD,), jnp.int32),
            pltpu.VMEM((NPAD,), jnp.int32),
            pltpu.SemaphoreType.DMA,
        ],
    )
    def k(x_hbm, out_hbm, e_in, c1_in, ae, ap, be, bp, ce, cp,
          eb, mz, my, mx, c1_sem):
        wid = lax.axis_index("s")

        @pl.when(wid < NSLICE)
        def _():
            base = wid * (2 * N_CELL)
            c1_cp = pltpu.make_async_copy(
                x_hbm.at[pl.ds(base + N_CELL, N_CELL)],
                c1_in.at[pl.ds(0, N_CELL)], c1_sem)
            c1_cp.start()
            pltpu.sync_copy(x_hbm.at[pl.ds(base, N_CELL)],
                            e_in.at[pl.ds(0, N_CELL)])

            zerov = jnp.full((16,), 0, jnp.int32)

            falsev = jnp.full((16,), False, jnp.bool_)

            @plsc.parallel_loop(0, NCH, unroll=UNROLL, carry=falsev)
            def und0_vec(j, cnt):
                ids = j * 16 + lax.iota(jnp.int32, 16)
                sl = pl.ds(j * 16, 16)
                wsl = pl.ds(OFF + j * 16, 16)
                e = e_in[sl]
                valid = jnp.logical_and(ids < N_CELL, e != 0.0)
                ae[wsl] = jnp.where(valid, e, -1.0)
                ap[wsl] = jnp.where(valid, ids * 2, BIGP)
                eb[sl] = jnp.where(
                    valid, lax.bitcast_convert_type(e, jnp.int32), -1)
                z = lax.rem(ids, 10)
                y = lax.rem(lax.div(ids, 10), 10)
                xx = lax.div(ids, 100)
                one = jnp.full((16,), 1, jnp.int32)
                two = jnp.full((16,), 2, jnp.int32)
                mz[sl] = jnp.where(z > 0, one, zerov) | jnp.where(
                    z < 9, two, zerov)
                my[sl] = jnp.where(y > 0, one, zerov) | jnp.where(
                    y < 9, two, zerov)
                mx[sl] = jnp.where(xx > 0, one, zerov) | jnp.where(
                    xx < 9, two, zerov)
                return cnt | valid

            und0 = jnp.any(und0_vec)

            def pool(src_e, src_p, dst_e, dst_p, stride, m_ref):
                @plsc.parallel_loop(0, NCH, unroll=UNROLL)
                def _body(j):
                    b = OFF + j * 16
                    m = m_ref[pl.ds(j * 16, 16)]
                    ce_ = src_e[pl.ds(b, 16)]
                    cp_ = src_p[pl.ds(b, 16)]
                    le = src_e[pl.ds(b - stride, 16)]
                    lp = src_p[pl.ds(b - stride, 16)]
                    re_ = src_e[pl.ds(b + stride, 16)]
                    rp = src_p[pl.ds(b + stride, 16)]
                    mlo = (m & 1) != 0
                    mhi = (m & 2) != 0
                    le = jnp.where(mlo, le, -2.0)
                    lp = jnp.where(mlo, lp, BIGP)
                    re_ = jnp.where(mhi, re_, -2.0)
                    rp = jnp.where(mhi, rp, BIGP)
                    gt = jnp.logical_or(
                        ce_ > le, jnp.logical_and(ce_ == le, cp_ < lp))
                    me = jnp.where(gt, ce_, le)
                    mp = jnp.where(gt, cp_, lp)
                    gt2 = jnp.logical_or(
                        me > re_, jnp.logical_and(me == re_, mp < rp))
                    dst_e[pl.ds(b, 16)] = jnp.where(gt2, me, re_)
                    dst_p[pl.ds(b, 16)] = jnp.where(gt2, mp, rp)

            def round_body(_c):
                pool(ae, ap, be, bp, 1, mz)
                pool(be, bp, ce, cp, 10, my)

                @plsc.parallel_loop(0, NCH, unroll=UNROLL, carry=falsev)
                def rem_vec(j, cnt):
                    b = OFF + j * 16
                    sl = pl.ds(b, 16)
                    m = mx[pl.ds(j * 16, 16)]
                    ce_ = ce[sl]
                    cp_ = cp[sl]
                    le = ce[pl.ds(b - 100, 16)]
                    lp = cp[pl.ds(b - 100, 16)]
                    re_ = ce[pl.ds(b + 100, 16)]
                    rp = cp[pl.ds(b + 100, 16)]
                    mlo = (m & 1) != 0
                    mhi = (m & 2) != 0
                    le = jnp.where(mlo, le, -2.0)
                    lp = jnp.where(mlo, lp, BIGP)
                    re_ = jnp.where(mhi, re_, -2.0)
                    rp = jnp.where(mhi, rp, BIGP)
                    gt = jnp.logical_or(
                        ce_ > le, jnp.logical_and(ce_ == le, cp_ < lp))
                    me = jnp.where(gt, ce_, le)
                    mp = jnp.where(gt, cp_, lp)
                    gt2 = jnp.logical_or(
                        me > re_, jnp.logical_and(me == re_, mp < rp))
                    me = jnp.where(gt2, me, re_)
                    mp = jnp.where(gt2, mp, rp)
                    e = ae[sl]
                    p = ap[sl]
                    kb = (p & 1) == 1
                    und = jnp.logical_and(e > 0.0, jnp.logical_not(kb))
                    isself = mp == p
                    newk = jnp.logical_and(und, isself)
                    sup = und & ((mp & 1) == 1) & jnp.logical_not(isself)
                    ap[sl] = jnp.where(newk, p | 1, p)
                    ae[sl] = jnp.where(sup, -1.0, e)
                    rem = und & jnp.logical_not(newk) & jnp.logical_not(sup)
                    return cnt | rem

                return jnp.any(rem_vec)

            lax.while_loop(lambda c: c, round_body, und0)

            @plsc.parallel_loop(0, NCH, unroll=UNROLL, carry=zerov)
            def kept_vec(j, cnt):
                p = ap[pl.ds(OFF + j * 16, 16)]
                return cnt + (p & 1)

            kept_n = jnp.sum(kept_vec)

            @pl.when(kept_n > MAXEV)
            def _cap():
                def count_gt(t):
                    @plsc.parallel_loop(0, NCH, unroll=UNROLL, carry=zerov)
                    def cvec(j, cnt):
                        ebj = eb[pl.ds(j * 16, 16)]
                        return cnt + (ebj > t).astype(jnp.int32)
                    return jnp.sum(cvec)

                def bs(_i, lohi):
                    lo, hi = lohi
                    mid = lax.div(lo + hi, jnp.int32(2))
                    pred = count_gt(mid) < MAXEV
                    return (jnp.where(pred, lo, mid + 1),
                            jnp.where(pred, mid, hi))

                tau, _ = lax.fori_loop(
                    0, 30, bs, (jnp.int32(0), jnp.int32((1 << 30) - 1)))
                quota = MAXEV - count_gt(tau)

                def capb(j, carry):
                    b = pl.ds(OFF + j * 16, 16)
                    sl = pl.ds(j * 16, 16)
                    ebj = eb[sl]
                    tie = ebj == tau
                    tc = tie.astype(jnp.int32)
                    pfx = plsc.cumsum(tc)
                    surv = tie & ((carry + (pfx - tc)) < quota)
                    allow = (ebj > tau) | surv
                    p = ap[b]
                    ap[b] = jnp.where(allow, p, p & (~1))
                    return carry + jnp.max(pfx)

                lax.fori_loop(0, NCH, capb, jnp.int32(0))

            anyv = und0
            c1_cp.wait()

            @plsc.parallel_loop(0, NCH, unroll=UNROLL)
            def _ob(j):
                b = pl.ds(OFF + j * 16, 16)
                sl = pl.ds(j * 16, 16)
                keepm = jnp.logical_or((ap[b] & 1) == 1,
                                       jnp.logical_not(anyv))
                e_in[sl] = jnp.where(keepm, e_in[sl], 0.0)
                c1_in[sl] = jnp.where(keepm, c1_in[sl], 0.0)

            e_out = pltpu.make_async_copy(
                e_in.at[pl.ds(0, N_CELL)],
                out_hbm.at[pl.ds(base, N_CELL)], c1_sem)
            e_out.start()
            pltpu.sync_copy(c1_in.at[pl.ds(0, N_CELL)],
                            out_hbm.at[pl.ds(base + N_CELL, N_CELL)])
            e_out.wait()

    return k(xr)


def kernel(x):
    shape = x.shape
    out = _nms_sc(x.reshape(-1))
    return out.reshape(shape)

# --- scband reference (transcript-rebuilt; emitter-appended) ---
"""Pipeline reference for scband-event-filter-87857851007244 (READ-ONLY COPY).

The authoritative reference and input builder live on the scoring server;
editing this copy changes nothing except your own understanding.
"""

import jax, jax.numpy as jnp
from jax import lax
import numpy as np

DIST_TH = 2.0
MAX_EVENTS = 100


def setup_inputs(seed: int = 0) -> dict:
    key = jax.random.key(seed)
    x = jax.random.uniform(key, (2, 8, 2, 10, 10, 10), dtype=jnp.float32)
    return {"x": x}


def _nms_3d(points):
    n = points.shape[0]
    keep = np.ones(n, dtype=bool)
    pf = points.astype(np.float32)
    for i in range(n):
        if not keep[i]:
            continue
        other = pf[i + 1:]
        if other.shape[0] == 0:
            continue
        d = np.sqrt(((pf[i] - other) ** 2).sum(axis=1))
        sub = keep[i + 1:]
        sub[d < DIST_TH] = False
        keep[i + 1:] = sub
    return keep


def reference(x):
    B, S = x.shape[:2]
    D0, D1, D2 = x.shape[3:]
    N = D0 * D1 * D2
    ar = jnp.arange(N)
    coords = jnp.stack(jnp.unravel_index(ar, (D0, D1, D2)), axis=1).astype(jnp.float32)

    def _proc(xt):
        energy = xt[0]
        e_flat = energy.reshape(-1)
        valid = e_flat != 0
        sort_key = jnp.where(valid, -e_flat, jnp.inf)
        perm = jnp.argsort(sort_key, stable=True)
        pts = coords[perm]
        keep0 = valid[perm]

        def body(i, keep):
            d = jnp.sqrt(((pts[i] - pts) ** 2).sum(axis=1))
            sup = (ar > i) & (d < DIST_TH)
            return jnp.where(keep[i], keep & ~sup, keep)

        keep = lax.fori_loop(0, N, body, keep0)
        keep = jnp.where(keep.sum() > MAX_EVENTS, keep & (ar < MAX_EVENTS), keep)
        mask = jnp.zeros(N, dtype=bool).at[perm].set(keep).reshape(D0, D1, D2)
        filtered = jnp.where(mask[None], xt, jnp.zeros_like(xt))
        return jnp.where(valid.any(), filtered, xt)

    flat = x.reshape((B * S,) + x.shape[2:])
    out = jax.vmap(_proc)(flat)
    return out.reshape(x.shape)

if __name__ == "__main__":
    import jax
    _d = setup_inputs()
    print(jax.jit(kernel)(*tuple(_d.values())))

</pallas_src>

<mosaic_0001>
#map = affine_map<(d0, d1) -> (0)>
module attributes {stable_mosaic.version = 14 : i64} {
  func.func @k(%arg0: i32, %arg1: i32, %arg2: memref<32000xf32, #tpu.memory_space<hbm>>, %arg3: memref<32000xf32, #tpu.memory_space<hbm>>, %arg4: memref<1024xf32, #tpu.memory_space<vmem>>, %arg5: memref<1024xf32, #tpu.memory_space<vmem>>, %arg6: memref<1248xf32, #tpu.memory_space<vmem>>, %arg7: memref<1248xi32, #tpu.memory_space<vmem>>, %arg8: memref<1248xf32, #tpu.memory_space<vmem>>, %arg9: memref<1248xi32, #tpu.memory_space<vmem>>, %arg10: memref<1248xf32, #tpu.memory_space<vmem>>, %arg11: memref<1248xi32, #tpu.memory_space<vmem>>, %arg12: memref<1024xi32, #tpu.memory_space<vmem>>, %arg13: memref<1024xi32, #tpu.memory_space<vmem>>, %arg14: memref<1024xi32, #tpu.memory_space<vmem>>, %arg15: memref<1024xi32, #tpu.memory_space<vmem>>, %arg16: memref<!tpu.dma_semaphore, #tpu.memory_space<semaphore_mem>>) attributes {dimension_semantics = [#tpu.dimension_semantics<core_parallel>, #tpu.dimension_semantics<subcore_parallel>], iteration_bounds = array<i64: 1, 16>, scalar_prefetch = 0 : i64, scratch_operands = 13 : i64, tpu.core_type = #tpu.core_type<sc_vector_subcore>, window_params = [{transform_indices = #map}, {transform_indices = #map}]} {
    %lt3A = arith.constant 16 : i32
    %lt3A_0 = arith.cmpi slt, %arg1, %lt3A : i32
    %convert_element_type3A = arith.extui %lt3A_0 : i1 to i32
    %cond3A = arith.constant 0 : i32
    %cond3A_1 = arith.cmpi ne, %convert_element_type3A, %cond3A : i32
    scf.if %cond3A_1 {
      %mul3A = arith.constant 2000 : i32
      %mul3A_2 = arith.muli %arg1, %mul3A : i32
      %add3A = arith.constant 1000 : i32
      %add3A_3 = arith.addi %mul3A_2, %add3A : i32
      %dma_start3A = arith.constant 0 : i32
      %dma_start3A_4 = tpu.memref_slice %arg5[%dma_start3A] : memref<1024xf32, #tpu.memory_space<vmem>> -> memref<1000xf32, #tpu.memory_space<vmem>>
      %dma_start3A_5 = tpu.memref_slice %arg2[%add3A_3] : memref<32000xf32, #tpu.memory_space<hbm>> -> memref<1000xf32, #tpu.memory_space<hbm>>
      %dma_start3A_6 = arith.constant 0 : i32
      %dma_start3A_7 = tpu.memref_slice %arg5[%dma_start3A_6] : memref<1024xf32, #tpu.memory_space<vmem>> -> memref<1000xf32, #tpu.memory_space<vmem>>
      %dma_start3A_8 = tpu.memref_slice %arg2[%add3A_3] : memref<32000xf32, #tpu.memory_space<hbm>> -> memref<1000xf32, #tpu.memory_space<hbm>>
      tpu.enqueue_dma source(%dma_start3A_8 : memref<1000xf32, #tpu.memory_space<hbm>>) target(%dma_start3A_7 : memref<1000xf32, #tpu.memory_space<vmem>>) target_semaphore(%arg16 : memref<!tpu.dma_semaphore, #tpu.memory_space<semaphore_mem>>)
      "tpu.region"() ({
        %run_scoped3A = tpu.sem_alloc : memref<!tpu.dma_semaphore, #tpu.memory_space<semaphore_mem>>
        %dma_start3A_58 = arith.constant 0 : i32
        %dma_start3A_59 = tpu.memref_slice %arg4[%dma_start3A_58] : memref<1024xf32, #tpu.memory_space<vmem>> -> memref<1000xf32, #tpu.memory_space<vmem>>
        %dma_start3A_60 = tpu.memref_slice %arg2[%mul3A_2] : memref<32000xf32, #tpu.memory_space<hbm>> -> memref<1000xf32, #tpu.memory_space<hbm>>
        %dma_start3A_61 = arith.constant 0 : i32
        %dma_start3A_62 = tpu.memref_slice %arg4[%dma_start3A_61] : memref<1024xf32, #tpu.memory_space<vmem>> -> memref<1000xf32, #tpu.memory_space<vmem>>
        %dma_start3A_63 = tpu.memref_slice %arg2[%mul3A_2] : memref<32000xf32, #tpu.memory_space<hbm>> -> memref<1000xf32, #tpu.memory_space<hbm>>
        tpu.enqueue_dma source(%dma_start3A_63 : memref<1000xf32, #tpu.memory_space<hbm>>) target(%dma_start3A_62 : memref<1000xf32, #tpu.memory_space<vmem>>) target_semaphore(%run_scoped3A : memref<!tpu.dma_semaphore, #tpu.memory_space<semaphore_mem>>)
        %dma_wait3A_64 = arith.constant 0 : i32
        %dma_wait3A_65 = tpu.memref_slice %arg4[%dma_wait3A_64] : memref<1024xf32, #tpu.memory_space<vmem>> -> memref<1000xf32, #tpu.memory_space<vmem>>
        %dma_wait3A_66 = tpu.memref_slice %arg2[%mul3A_2] : memref<32000xf32, #tpu.memory_space<hbm>> -> memref<1000xf32, #tpu.memory_space<hbm>>
        %dma_wait3A_67 = arith.constant 0 : i32
        %dma_wait3A_68 = tpu.memref_slice %arg4[%dma_wait3A_67] : memref<1024xf32, #tpu.memory_space<vmem>> -> memref<1000xf32, #tpu.memory_space<vmem>>
        %dma_wait3A_69 = tpu.memref_slice %arg2[%mul3A_2] : memref<32000xf32, #tpu.memory_space<hbm>> -> memref<1000xf32, #tpu.memory_space<hbm>>
        tpu.wait_dma2 semaphore(%run_scoped3A : memref<!tpu.dma_semaphore, #tpu.memory_space<semaphore_mem>>) src(%dma_wait3A_69 : memref<1000xf32, #tpu.memory_space<hbm>>) dst(%dma_wait3A_68 : memref<1000xf32, #tpu.memory_space<vmem>>)
        tpu.yield
      }) : () -> ()
      %broadcast_in_dim3A = arith.constant 0 : i32
      %broadcast_in_dim3A_9 = vector.broadcast %broadcast_in_dim3A : i32 to vector<16xi32>
      %broadcast_in_dim3A_10 = arith.constant false
      %broadcast_in_dim3A_11 = vector.broadcast %broadcast_in_dim3A_10 : i1 to vector<16xi1>
      %parallel_loop3A = arith.constant 0 : i32
      %parallel_loop3A_12 = arith.constant 64 : i32
      %parallel_loop3A_13 = arith.constant 1 : i32
      %parallel_loop3A_14 = scf.for %parallel_loop3A_58 = %parallel_loop3A to %parallel_loop3A_12 step %parallel_loop3A_13 iter_args(%parallel_loop3A_59 = %broadcast_in_dim3A_11) -> (vector<16xi1>)  : i32 {
        %parallel_loop3A_60 = arith.constant 16 : i32
        %parallel_loop3A_61 = arith.muli %parallel_loop3A_58, %parallel_loop3A_60 : i32
        %parallel_loop3A_62 = tpu.iota {dimensions = array<i32: 0>} : vector<16xi32>
        %parallel_loop3A_63 = vector.broadcast %parallel_loop3A_61 : i32 to vector<16xi32>
        %parallel_loop3A_64 = arith.addi %parallel_loop3A_63, %parallel_loop3A_62 : vector<16xi32>
        %parallel_loop3A_65 = arith.constant 16 : i32
        %parallel_loop3A_66 = arith.muli %parallel_loop3A_58, %parallel_loop3A_65 : i32
        %parallel_loop3A_67 = arith.constant 16 : i32
        %parallel_loop3A_68 = arith.muli %parallel_loop3A_58, %parallel_loop3A_67 : i32
        %parallel_loop3A_69 = arith.constant 112 : i32
        %parallel_loop3A_70 = arith.addi %parallel_loop3A_69, %parallel_loop3A_68 : i32
        %parallel_loop3A_71 = arith.index_cast %parallel_loop3A_66 : i32 to index
        %parallel_loop3A_72 = tpu.vector_load %arg4[%parallel_loop3A_71] {strides = array<i32>} : memref<1024xf32, #tpu.memory_space<vmem>>, vector<16xf32>,
        %parallel_loop3A_73 = arith.constant 1000 : i32
        %parallel_loop3A_74 = vector.broadcast %parallel_loop3A_73 : i32 to vector<16xi32>
        %parallel_loop3A_75 = arith.cmpi slt, %parallel_loop3A_64, %parallel_loop3A_74 : vector<16xi32>
        %parallel_loop3A_76 = arith.constant 0.000000e+00 : f32
        %parallel_loop3A_77 = vector.broadcast %parallel_loop3A_76 : f32 to vector<16xf32>
        %parallel_loop3A_78 = arith.cmpf one, %parallel_loop3A_72, %parallel_loop3A_77 : vector<16xf32>
        %parallel_loop3A_79 = arith.andi %parallel_loop3A_75, %parallel_loop3A_78 : vector<16xi1>
        %parallel_loop3A_80 = arith.constant -1.000000e+00 : f32
        %parallel_loop3A_81 = vector.broadcast %parallel_loop3A_80 : f32 to vector<16xf32>
        %parallel_loop3A_82 = arith.select %parallel_loop3A_79, %parallel_loop3A_72, %parallel_loop3A_81 : vector<16xi1>, vector<16xf32>
        %parallel_loop3A_83 = arith.index_cast %parallel_loop3A_70 : i32 to index
        %parallel_loop3A_84 = tpu.vector_load %arg6[%parallel_loop3A_83] {strides = array<i32>} : memref<1248xf32, #tpu.memory_space<vmem>>, vector<16xf32>,
        tpu.vector_store %arg6[%parallel_loop3A_83], %parallel_loop3A_82 {strides = array<i32>} : memref<1248xf32, #tpu.memory_space<vmem>>, vector<16xf32>,
        %parallel_loop3A_85 = arith.constant 2 : i32
        %parallel_loop3A_86 = vector.broadcast %parallel_loop3A_85 : i32 to vector<16xi32>
        %parallel_loop3A_87 = arith.muli %parallel_loop3A_64, %parallel_loop3A_86 : vector<16xi32>
        %parallel_loop3A_88 = arith.constant 536870912 : i32
        %parallel_loop3A_89 = vector.broadcast %parallel_loop3A_88 : i32 to vector<16xi32>
        %parallel_loop3A_90 = arith.select %parallel_loop3A_79, %parallel_loop3A_87, %parallel_loop3A_89 : vector<16xi1>, vector<16xi32>
        %parallel_loop3A_91 = arith.index_cast %parallel_loop3A_70 : i32 to index
        %parallel_loop3A_92 = tpu.vector_load %arg7[%parallel_loop3A_91] {strides = array<i32>} : memref<1248xi32, #tpu.memory_space<vmem>>, vector<16xi32>,
        tpu.vector_store %arg7[%parallel_loop3A_91], %parallel_loop3A_90 {strides = array<i32>} : memref<1248xi32, #tpu.memory_space<vmem>>, vector<16xi32>,
        %parallel_loop3A_93 = tpu.bitcast %parallel_loop3A_72 : vector<16xf32> -> vector<16xi32>
        %parallel_loop3A_94 = arith.constant -1 : i32
        %parallel_loop3A_95 = vector.broadcast %parallel_loop3A_94 : i32 to vector<16xi32>
        %parallel_loop3A_96 = arith.select %parallel_loop3A_79, %parallel_loop3A_93, %parallel_loop3A_95 : vector<16xi1>, vector<16xi32>
        %parallel_loop3A_97 = arith.index_cast %parallel_loop3A_66 : i32 to index
        %parallel_loop3A_98 = tpu.vector_load %arg12[%parallel_loop3A_97] {strides = array<i32>} : memref<1024xi32, #tpu.memory_space<vmem>>, vector<16xi32>,
        tpu.vector_store %arg12[%parallel_loop3A_97], %parallel_loop3A_96 {strides = array<i32>} : memref<1024xi32, #tpu.memory_space<vmem>>, vector<16xi32>,
        %parallel_loop3A_99 = arith.constant 10 : i32
        %parallel_loop3A_100 = vector.broadcast %parallel_loop3A_99 : i32 to vector<16xi32>
        %parallel_loop3A_101 = arith.remsi %parallel_loop3A_64, %parallel_loop3A_100 : vector<16xi32>
        %parallel_loop3A_102 = arith.constant 10 : i32
        %parallel_loop3A_103 = vector.broadcast %parallel_loop3A_102 : i32 to vector<16xi32>
        %parallel_loop3A_104 = arith.divsi %parallel_loop3A_64, %parallel_loop3A_103 : vector<16xi32>
        %parallel_loop3A_105 = arith.constant 10 : i32
        %parallel_loop3A_106 = vector.broadcast %parallel_loop3A_105 : i32 to vector<16xi32>
        %parallel_loop3A_107 = arith.remsi %parallel_loop3A_104, %parallel_loop3A_106 : vector<16xi32>
        %parallel_loop3A_108 = arith.constant 100 : i32
        %parallel_loop3A_109 = vector.broadcast %parallel_loop3A_108 : i32 to vector<16xi32>
        %parallel_loop3A_110 = arith.divsi %parallel_loop3A_64, %parallel_loop3A_109 : vector<16xi32>
        %parallel_loop3A_111 = arith.constant 1 : i32
        %parallel_loop3A_112 = vector.broadcast %parallel_loop3A_111 : i32 to vector<16xi32>
        %parallel_loop3A_113 = arith.constant 2 : i32
        %parallel_loop3A_114 = vector.broadcast %parallel_loop3A_113 : i32 to vector<16xi32>
        %parallel_loop3A_115 = arith.constant 0 : i32
        %parallel_loop3A_116 = vector.broadcast %parallel_loop3A_115 : i32 to vector<16xi32>
        %parallel_loop3A_117 = arith.cmpi sgt, %parallel_loop3A_101, %parallel_loop3A_116 : vector<16xi32>
        %parallel_loop3A_118 = arith.select %parallel_loop3A_117, %parallel_loop3A_112, %broadcast_in_dim3A_9 : vector<16xi1>, vector<16xi32>
        %parallel_loop3A_119 = arith.constant 9 : i32
        %parallel_loop3A_120 = vector.broadcast %parallel_loop3A_119 : i32 to vector<16xi32>
        %parallel_loop3A_121 = arith.cmpi slt, %parallel_loop3A_101, %parallel_loop3A_120 : vector<16xi32>
        %parallel_loop3A_122 = arith.select %parallel_loop3A_121, %parallel_loop3A_114, %broadcast_in_dim3A_9 : vector<16xi1>, vector<16xi32>
        %parallel_loop3A_123 = arith.ori %parallel_loop3A_118, %parallel_loop3A_122 : vector<16xi32>
        %parallel_loop3A_124 = arith.index_cast %parallel_loop3A_66 : i32 to index
        %parallel_loop3A_125 = tpu.vector_load %arg13[%parallel_loop3A_124] {strides = array<i32>} : memref<1024xi32, #tpu.memory_space<vmem>>, vector<16xi32>,
        tpu.vector_store %arg13[%parallel_loop3A_124], %parallel_loop3A_123 {strides = array<i32>} : memref<1024xi32, #tpu.memory_space<vmem>>, vector<16xi32>,
        %parallel_loop3A_126 = arith.constant 0 : i32
        %parallel_loop3A_127 = vector.broadcast %parallel_loop3A_126 : i32 to vector<16xi32>
        %parallel_loop3A_128 = arith.cmpi sgt, %parallel_loop3A_107, %parallel_loop3A_127 : vector<16xi32>
        %parallel_loop3A_129 = arith.select %parallel_loop3A_128, %parallel_loop3A_112, %broadcast_in_dim3A_9 : vector<16xi1>, vector<16xi32>
        %parallel_loop3A_130 = arith.constant 9 : i32
        %parallel_loop3A_131 = vector.broadcast %parallel_loop3A_130 : i32 to vector<16xi32>
        %parallel_loop3A_132 = arith.cmpi slt, %parallel_loop3A_107, %parallel_loop3A_131 : vector<16xi32>
        %parallel_loop3A_133 = arith.select %parallel_loop3A_132, %parallel_loop3A_114, %broadcast_in_dim3A_9 : vector<16xi1>, vector<16xi32>
        %parallel_loop3A_134 = arith.ori %parallel_loop3A_129, %parallel_loop3A_133 : vector<16xi32>
        %parallel_loop3A_135 = arith.index_cast %parallel_loop3A_66 : i32 to index
        %parallel_loop3A_136 = tpu.vector_load %arg14[%parallel_loop3A_135] {strides = array<i32>} : memref<1024xi32, #tpu.memory_space<vmem>>, vector<16xi32>,
        tpu.vector_store %arg14[%parallel_loop3A_135], %parallel_loop3A_134 {strides = array<i32>} : memref<1024xi32, #tpu.memory_space<vmem>>, vector<16xi32>,
        %parallel_loop3A_137 = arith.constant 0 : i32
        %parallel_loop3A_138 = vector.broadcast %parallel_loop3A_137 : i32 to vector<16xi32>
        %parallel_loop3A_139 = arith.cmpi sgt, %parallel_loop3A_110, %parallel_loop3A_138 : vector<16xi32>
        %parallel_loop3A_140 = arith.select %parallel_loop3A_139, %parallel_loop3A_112, %broadcast_in_dim3A_9 : vector<16xi1>, vector<16xi32>
        %parallel_loop3A_141 = arith.constant 9 : i32
        %parallel_loop3A_142 = vector.broadcast %parallel_loop3A_141 : i32 to vector<16xi32>
        %parallel_loop3A_143 = arith.cmpi slt, %parallel_loop3A_110, %parallel_loop3A_142 : vector<16xi32>
        %parallel_loop3A_144 = arith.select %parallel_loop3A_143, %parallel_loop3A_114, %broadcast_in_dim3A_9 : vector<16xi1>, vector<16xi32>
        %parallel_loop3A_145 = arith.ori %parallel_loop3A_140, %parallel_loop3A_144 : vector<16xi32>
        %parallel_loop3A_146 = arith.index_cast %parallel_loop3A_66 : i32 to index
        %parallel_loop3A_147 = tpu.vector_load %arg15[%parallel_loop3A_146] {strides = array<i32>} : memref<1024xi32, #tpu.memory_space<vmem>>, vector<16xi32>,
        tpu.vector_store %arg15[%parallel_loop3A_146], %parallel_loop3A_145 {strides = array<i32>} : memref<1024xi32, #tpu.memory_space<vmem>>, vector<16xi32>,
        %parallel_loop3A_148 = arith.ori %parallel_loop3A_59, %parallel_loop3A_79 : vector<16xi1>
        scf.yield %parallel_loop3A_148 : vector<16xi1>
      } {sc.loop_unroll_factor = 8 : i64, sc.parallel_access}
      %reduce_or3A = arith.constant 1.000000e+00 : f32
      %reduce_or3A_15 = arith.constant 0.000000e+00 : f32
      %reduce_or3A_16 = vector.broadcast %reduce_or3A : f32 to vector<16xf32>
      %reduce_or3A_17 = vector.broadcast %reduce_or3A_15 : f32 to vector<16xf32>
      %reduce_or3A_18 = arith.select %parallel_loop3A_14, %reduce_or3A_16, %reduce_or3A_17 : vector<16xi1>, vector<16xf32>
      %reduce_or3A_19 = arith.constant true
      %reduce_or3A_20 = vector.broadcast %reduce_or3A_19 : i1 to vector<16xi1>
      %reduce_or3A_21 = tpu.scan <max>, %reduce_or3A_18 masked %reduce_or3A_20 : vector<16xf32>, vector<16xi1> -> vector<16xf32>
      %reduce_or3A_22 = vector.extract %reduce_or3A_21[15] : f32 from vector<16xf32>
      %reduce_or3A_23 = arith.constant 0.000000e+00 : f32
      %reduce_or3A_24 = arith.cmpf ogt, %reduce_or3A_22, %reduce_or3A_23 : f32
      %while3A = scf.while (%while3A_58 = %reduce_or3A_24) : (i1) -> i1 {
        scf.condition(%while3A_58) %while3A_58 : i1
      } do {
      ^bb0(%while3A_58: i1):
        %parallel_loop3A_59 = arith.constant 0 : i32
        %parallel_loop3A_60 = arith.constant 64 : i32
        %parallel_loop3A_61 = arith.constant 1 : i32
        scf.for %parallel_loop3A_80 = %parallel_loop3A_59 to %parallel_loop3A_60 step %parallel_loop3A_61  : i32 {
          %parallel_loop3A_81 = arith.constant 16 : i32
          %parallel_loop3A_82 = arith.muli %parallel_loop3A_80, %parallel_loop3A_81 : i32
          %parallel_loop3A_83 = arith.constant 112 : i32
          %parallel_loop3A_84 = arith.addi %parallel_loop3A_83, %parallel_loop3A_82 : i32
          %parallel_loop3A_85 = arith.constant 16 : i32
          %parallel_loop3A_86 = arith.muli %parallel_loop3A_80, %parallel_loop3A_85 : i32
          %parallel_loop3A_87 = arith.index_cast %parallel_loop3A_86 : i32 to index
          %parallel_loop3A_88 = tpu.vector_load %arg13[%parallel_loop3A_87] {strides = array<i32>} : memref<1024xi32, #tpu.memory_space<vmem>>, vector<16xi32>,
          %parallel_loop3A_89 = arith.index_cast %parallel_loop3A_84 : i32 to index
          %parallel_loop3A_90 = tpu.vector_load %arg6[%parallel_loop3A_89] {strides = array<i32>} : memref<1248xf32, #tpu.memory_space<vmem>>, vector<16xf32>,
          %parallel_loop3A_91 = arith.index_cast %parallel_loop3A_84 : i32 to index
          %parallel_loop3A_92 = tpu.vector_load %arg7[%parallel_loop3A_91] {strides = array<i32>} : memref<1248xi32, #tpu.memory_space<vmem>>, vector<16xi32>,
          %parallel_loop3A_93 = arith.constant 1 : i32
          %parallel_loop3A_94 = arith.subi %parallel_loop3A_84, %parallel_loop3A_93 : i32
          %parallel_loop3A_95 = arith.index_cast %parallel_loop3A_94 : i32 to index
          %parallel_loop3A_96 = tpu.vector_load %arg6[%parallel_loop3A_95] {strides = array<i32>} : memref<1248xf32, #tpu.memory_space<vmem>>, vector<16xf32>,
          %parallel_loop3A_97 = arith.constant 1 : i32
          %parallel_loop3A_98 = arith.subi %parallel_loop3A_84, %parallel_loop3A_97 : i32
          %parallel_loop3A_99 = arith.index_cast %parallel_loop3A_98 : i32 to index
          %parallel_loop3A_100 = tpu.vector_load %arg7[%parallel_loop3A_99] {strides = array<i32>} : memref<1248xi32, #tpu.memory_space<vmem>>, vector<16xi32>,
          %parallel_loop3A_101 = arith.constant 1 : i32
          %parallel_loop3A_102 = arith.addi %parallel_loop3A_84, %parallel_loop3A_101 : i32
          %parallel_loop3A_103 = arith.index_cast %parallel_loop3A_102 : i32 to index
          %parallel_loop3A_104 = tpu.vector_load %arg6[%parallel_loop3A_103] {strides = array<i32>} : memref<1248xf32, #tpu.memory_space<vmem>>, vector<16xf32>,
          %parallel_loop3A_105 = arith.constant 1 : i32
          %parallel_loop3A_106 = arith.addi %parallel_loop3A_84, %parallel_loop3A_105 : i32
          %parallel_loop3A_107 = arith.index_cast %parallel_loop3A_106 : i32 to index
          %parallel_loop3A_108 = tpu.vector_load %arg7[%parallel_loop3A_107] {strides = array<i32>} : memref<1248xi32, #tpu.memory_space<vmem>>, vector<16xi32>,
          %parallel_loop3A_109 = arith.constant 1 : i32
          %parallel_loop3A_110 = vector.broadcast %parallel_loop3A_109 : i32 to vector<16xi32>
          %parallel_loop3A_111 = arith.andi %parallel_loop3A_88, %parallel_loop3A_110 : vector<16xi32>
          %parallel_loop3A_112 = arith.constant 0 : i32
          %parallel_loop3A_113 = vector.broadcast %parallel_loop3A_112 : i32 to vector<16xi32>
          %parallel_loop3A_114 = arith.cmpi ne, %parallel_loop3A_111, %parallel_loop3A_113 : vector<16xi32>
          %parallel_loop3A_115 = arith.constant 2 : i32
          %parallel_loop3A_116 = vector.broadcast %parallel_loop3A_115 : i32 to vector<16xi32>
          %parallel_loop3A_117 = arith.andi %parallel_loop3A_88, %parallel_loop3A_116 : vector<16xi32>
          %parallel_loop3A_118 = arith.constant 0 : i32
          %parallel_loop3A_119 = vector.broadcast %parallel_loop3A_118 : i32 to vector<16xi32>
          %parallel_loop3A_120 = arith.cmpi ne, %parallel_loop3A_117, %parallel_loop3A_119 : vector<16xi32>
          %parallel_loop3A_121 = arith.constant -2.000000e+00 : f32
          %parallel_loop3A_122 = vector.broadcast %parallel_loop3A_121 : f32 to vector<16xf32>
          %parallel_loop3A_123 = arith.select %parallel_loop3A_114, %parallel_loop3A_96, %parallel_loop3A_122 : vector<16xi1>, vector<16xf32>
          %parallel_loop3A_124 = arith.constant 536870912 : i32
          %parallel_loop3A_125 = vector.broadcast %parallel_loop3A_124 : i32 to vector<16xi32>
          %parallel_loop3A_126 = arith.select %parallel_loop3A_114, %parallel_loop3A_100, %parallel_loop3A_125 : vector<16xi1>, vector<16xi32>
          %parallel_loop3A_127 = arith.constant -2.000000e+00 : f32
          %parallel_loop3A_128 = vector.broadcast %parallel_loop3A_127 : f32 to vector<16xf32>
          %parallel_loop3A_129 = arith.select %parallel_loop3A_120, %parallel_loop3A_104, %parallel_loop3A_128 : vector<16xi1>, vector<16xf32>
          %parallel_loop3A_130 = arith.constant 536870912 : i32
          %parallel_loop3A_131 = vector.broadcast %parallel_loop3A_130 : i32 to vector<16xi32>
          %parallel_loop3A_132 = arith.select %parallel_loop3A_120, %parallel_loop3A_108, %parallel_loop3A_131 : vector<16xi1>, vector<16xi32>
          %parallel_loop3A_133 = arith.cmpf ogt, %parallel_loop3A_90, %parallel_loop3A_123 : vector<16xf32>
          %parallel_loop3A_134 = arith.cmpf oeq, %parallel_loop3A_90, %parallel_loop3A_123 : vector<16xf32>
          %parallel_loop3A_135 = arith.cmpi slt, %parallel_loop3A_92, %parallel_loop3A_126 : vector<16xi32>
          %parallel_loop3A_136 = arith.andi %parallel_loop3A_134, %parallel_loop3A_135 : vector<16xi1>
          %parallel_loop3A_137 = arith.ori %parallel_loop3A_133, %parallel_loop3A_136 : vector<16xi1>
          %parallel_loop3A_138 = arith.select %parallel_loop3A_137, %parallel_loop3A_90, %parallel_loop3A_123 : vector<16xi1>, vector<16xf32>
          %parallel_loop3A_139 = arith.select %parallel_loop3A_137, %parallel_loop3A_92, %parallel_loop3A_126 : vector<16xi1>, vector<16xi32>
          %parallel_loop3A_140 = arith.cmpf ogt, %parallel_loop3A_138, %parallel_loop3A_129 : vector<16xf32>
          %parallel_loop3A_141 = arith.cmpf oeq, %parallel_loop3A_138, %parallel_loop3A_129 : vector<16xf32>
          %parallel_loop3A_142 = arith.cmpi slt, %parallel_loop3A_139, %parallel_loop3A_132 : vector<16xi32>
          %parallel_loop3A_143 = arith.andi %parallel_loop3A_141, %parallel_loop3A_142 : vector<16xi1>
          %parallel_loop3A_144 = arith.ori %parallel_loop3A_140, %parallel_loop3A_143 : vector<16xi1>
          %parallel_loop3A_145 = arith.select %parallel_loop3A_144, %parallel_loop3A_138, %parallel_loop3A_129 : vector<16xi1>, vector<16xf32>
          %parallel_loop3A_146 = arith.index_cast %parallel_loop3A_84 : i32 to index
          %parallel_loop3A_147 = tpu.vector_load %arg8[%parallel_loop3A_146] {strides = array<i32>} : memref<1248xf32, #tpu.memory_space<vmem>>, vector<16xf32>,
          tpu.vector_store %arg8[%parallel_loop3A_146], %parallel_loop3A_145 {strides = array<i32>} : memref<1248xf32, #tpu.memory_space<vmem>>, vector<16xf32>,
          %parallel_loop3A_148 = arith.select %parallel_loop3A_144, %parallel_loop3A_139, %parallel_loop3A_132 : vector<16xi1>, vector<16xi32>
          %parallel_loop3A_149 = arith.index_cast %parallel_loop3A_84 : i32 to index
          %parallel_loop3A_150 = tpu.vector_load %arg9[%parallel_loop3A_149] {strides = array<i32>} : memref<1248xi32, #tpu.memory_space<vmem>>, vector<16xi32>,
          tpu.vector_store %arg9[%parallel_loop3A_149], %parallel_loop3A_148 {strides = array<i32>} : memref<1248xi32, #tpu.memory_space<vmem>>, vector<16xi32>,
        } {sc.loop_unroll_factor = 8 : i64, sc.parallel_access}
        %parallel_loop3A_62 = arith.constant 0 : i32
        %parallel_loop3A_63 = arith.constant 64 : i32
        %parallel_loop3A_64 = arith.constant 1 : i32
        scf.for %parallel_loop3A_80 = %parallel_loop3A_62 to %parallel_loop3A_63 step %parallel_loop3A_64  : i32 {
          %parallel_loop3A_81 = arith.constant 16 : i32
          %parallel_loop3A_82 = arith.muli %parallel_loop3A_80, %parallel_loop3A_81 : i32
          %parallel_loop3A_83 = arith.constant 112 : i32
          %parallel_loop3A_84 = arith.addi %parallel_loop3A_83, %parallel_loop3A_82 : i32
          %parallel_loop3A_85 = arith.constant 16 : i32
          %parallel_loop3A_86 = arith.muli %parallel_loop3A_80, %parallel_loop3A_85 : i32
          %parallel_loop3A_87 = arith.index_cast %parallel_loop3A_86 : i32 to index
          %parallel_loop3A_88 = tpu.vector_load %arg14[%parallel_loop3A_87] {strides = array<i32>} : memref<1024xi32, #tpu.memory_space<vmem>>, vector<16xi32>,
          %parallel_loop3A_89 = arith.index_cast %parallel_loop3A_84 : i32 to index
          %parallel_loop3A_90 = tpu.vector_load %arg8[%parallel_loop3A_89] {strides = array<i32>} : memref<1248xf32, #tpu.memory_space<vmem>>, vector<16xf32>,
          %parallel_loop3A_91 = arith.index_cast %parallel_loop3A_84 : i32 to index
          %parallel_loop3A_92 = tpu.vector_load %arg9[%parallel_loop3A_91] {strides = array<i32>} : memref<1248xi32, #tpu.memory_space<vmem>>, vector<16xi32>,
          %parallel_loop3A_93 = arith.constant 10 : i32
          %parallel_loop3A_94 = arith.subi %parallel_loop3A_84, %parallel_loop3A_93 : i32
          %parallel_loop3A_95 = arith.index_cast %parallel_loop3A_94 : i32 to index
          %parallel_loop3A_96 = tpu.vector_load %arg8[%parallel_loop3A_95] {strides = array<i32>} : memref<1248xf32, #tpu.memory_space<vmem>>, vector<16xf32>,
          %parallel_loop3A_97 = arith.constant 10 : i32
          %parallel_loop3A_98 = arith.subi %parallel_loop3A_84, %parallel_loop3A_97 : i32
          %parallel_loop3A_99 = arith.index_cast %parallel_loop3A_98 : i32 to index
          %parallel_loop3A_100 = tpu.vector_load %arg9[%parallel_loop3A_99] {strides = array<i32>} : memref<1248xi32, #tpu.memory_space<vmem>>, vector<16xi32>,
          %parallel_loop3A_101 = arith.constant 10 : i32
          %parallel_loop3A_102 = arith.addi %parallel_loop3A_84, %parallel_loop3A_101 : i32
          %parallel_loop3A_103 = arith.index_cast %parallel_loop3A_102 : i32 to index
          %parallel_loop3A_104 = tpu.vector_load %arg8[%parallel_loop3A_103] {strides = array<i32>} : memref<1248xf32, #tpu.memory_space<vmem>>, vector<16xf32>,
          %parallel_loop3A_105 = arith.constant 10 : i32
          %parallel_loop3A_106 = arith.addi %parallel_loop3A_84, %parallel_loop3A_105 : i32
          %parallel_loop3A_107 = arith.index_cast %parallel_loop3A_106 : i32 to index
          %parallel_loop3A_108 = tpu.vector_load %arg9[%parallel_loop3A_107] {strides = array<i32>} : memref<1248xi32, #tpu.memory_space<vmem>>, vector<16xi32>,
          %parallel_loop3A_109 = arith.constant 1 : i32
          %parallel_loop3A_110 = vector.broadcast %parallel_loop3A_109 : i32 to vector<16xi32>
          %parallel_loop3A_111 = arith.andi %parallel_loop3A_88, %parallel_loop3A_110 : vector<16xi32>
          %parallel_loop3A_112 = arith.constant 0 : i32
          %parallel_loop3A_113 = vector.broadcast %parallel_loop3A_112 : i32 to vector<16xi32>
          %parallel_loop3A_114 = arith.cmpi ne, %parallel_loop3A_111, %parallel_loop3A_113 : vector<16xi32>
          %parallel_loop3A_115 = arith.constant 2 : i32
          %parallel_loop3A_116 = vector.broadcast %parallel_loop3A_115 : i32 to vector<16xi32>
          %parallel_loop3A_117 = arith.andi %parallel_loop3A_88, %parallel_loop3A_116 : vector<16xi32>
          %parallel_loop3A_118 = arith.constant 0 : i32
          %parallel_loop3A_119 = vector.broadcast %parallel_loop3A_118 : i32 to vector<16xi32>
          %parallel_loop3A_120 = arith.cmpi ne, %parallel_loop3A_117, %parallel_loop3A_119 : vector<16xi32>
          %parallel_loop3A_121 = arith.constant -2.000000e+00 : f32
          %parallel_loop3A_122 = vector.broadcast %parallel_loop3A_121 : f32 to vector<16xf32>
          %parallel_loop3A_123 = arith.select %parallel_loop3A_114, %parallel_loop3A_96, %parallel_loop3A_122 : vector<16xi1>, vector<16xf32>
          %parallel_loop3A_124 = arith.constant 536870912 : i32
          %parallel_loop3A_125 = vector.broadcast %parallel_loop3A_124 : i32 to vector<16xi32>
          %parallel_loop3A_126 = arith.select %parallel_loop3A_114, %parallel_loop3A_100, %parallel_loop3A_125 : vector<16xi1>, vector<16xi32>
          %parallel_loop3A_127 = arith.constant -2.000000e+00 : f32
          %parallel_loop3A_128 = vector.broadcast %parallel_loop3A_127 : f32 to vector<16xf32>
          %parallel_loop3A_129 = arith.select %parallel_loop3A_120, %parallel_loop3A_104, %parallel_loop3A_128 : vector<16xi1>, vector<16xf32>
          %parallel_loop3A_130 = arith.constant 536870912 : i32
          %parallel_loop3A_131 = vector.broadcast %parallel_loop3A_130 : i32 to vector<16xi32>
          %parallel_loop3A_132 = arith.select %parallel_loop3A_120, %parallel_loop3A_108, %parallel_loop3A_131 : vector<16xi1>, vector<16xi32>
          %parallel_loop3A_133 = arith.cmpf ogt, %parallel_loop3A_90, %parallel_loop3A_123 : vector<16xf32>
          %parallel_loop3A_134 = arith.cmpf oeq, %parallel_loop3A_90, %parallel_loop3A_123 : vector<16xf32>
          %parallel_loop3A_135 = arith.cmpi slt, %parallel_loop3A_92, %parallel_loop3A_126 : vector<16xi32>
          %parallel_loop3A_136 = arith.andi %parallel_loop3A_134, %parallel_loop3A_135 : vector<16xi1>
          %parallel_loop3A_137 = arith.ori %parallel_loop3A_133, %parallel_loop3A_136 : vector<16xi1>
          %parallel_loop3A_138 = arith.select %parallel_loop3A_137, %parallel_loop3A_90, %parallel_loop3A_123 : vector<16xi1>, vector<16xf32>
          %parallel_loop3A_139 = arith.select %parallel_loop3A_137, %parallel_loop3A_92, %parallel_loop3A_126 : vector<16xi1>, vector<16xi32>
          %parallel_loop3A_140 = arith.cmpf ogt, %parallel_loop3A_138, %parallel_loop3A_129 : vector<16xf32>
          %parallel_loop3A_141 = arith.cmpf oeq, %parallel_loop3A_138, %parallel_loop3A_129 : vector<16xf32>
          %parallel_loop3A_142 = arith.cmpi slt, %parallel_loop3A_139, %parallel_loop3A_132 : vector<16xi32>
          %parallel_loop3A_143 = arith.andi %parallel_loop3A_141, %parallel_loop3A_142 : vector<16xi1>
          %parallel_loop3A_144 = arith.ori %parallel_loop3A_140, %parallel_loop3A_143 : vector<16xi1>
          %parallel_loop3A_145 = arith.select %parallel_loop3A_144, %parallel_loop3A_138, %parallel_loop3A_129 : vector<16xi1>, vector<16xf32>
          %parallel_loop3A_146 = arith.index_cast %parallel_loop3A_84 : i32 to index
          %parallel_loop3A_147 = tpu.vector_load %arg10[%parallel_loop3A_146] {strides = array<i32>} : memref<1248xf32, #tpu.memory_space<vmem>>, vector<16xf32>,
          tpu.vector_store %arg10[%parallel_loop3A_146], %parallel_loop3A_145 {strides = array<i32>} : memref<1248xf32, #tpu.memory_space<vmem>>, vector<16xf32>,
          %parallel_loop3A_148 = arith.select %parallel_loop3A_144, %parallel_loop3A_139, %parallel_loop3A_132 : vector<16xi1>, vector<16xi32>
          %parallel_loop3A_149 = arith.index_cast %parallel_loop3A_84 : i32 to index
          %parallel_loop3A_150 = tpu.vector_load %arg11[%parallel_loop3A_149] {strides = array<i32>} : memref<1248xi32, #tpu.memory_space<vmem>>, vector<16xi32>,
          tpu.vector_store %arg11[%parallel_loop3A_149], %parallel_loop3A_148 {strides = array<i32>} : memref<1248xi32, #tpu.memory_space<vmem>>, vector<16xi32>,
        } {sc.loop_unroll_factor = 8 : i64, sc.parallel_access}
        %parallel_loop3A_65 = arith.constant 0 : i32
        %parallel_loop3A_66 = arith.constant 64 : i32
        %parallel_loop3A_67 = arith.constant 1 : i32
        %parallel_loop3A_68 = scf.for %parallel_loop3A_80 = %parallel_loop3A_65 to %parallel_loop3A_66 step %parallel_loop3A_67 iter_args(%parallel_loop3A_81 = %broadcast_in_dim3A_11) -> (vector<16xi1>)  : i32 {
          %parallel_loop3A_82 = arith.constant 16 : i32
          %parallel_loop3A_83 = arith.muli %parallel_loop3A_80, %parallel_loop3A_82 : i32
          %parallel_loop3A_84 = arith.constant 112 : i32
          %parallel_loop3A_85 = arith.addi %parallel_loop3A_84, %parallel_loop3A_83 : i32
          %parallel_loop3A_86 = arith.constant 16 : i32
          %parallel_loop3A_87 = arith.muli %parallel_loop3A_80, %parallel_loop3A_86 : i32
          %parallel_loop3A_88 = arith.index_cast %parallel_loop3A_87 : i32 to index
          %parallel_loop3A_89 = tpu.vector_load %arg15[%parallel_loop3A_88] {strides = array<i32>} : memref<1024xi32, #tpu.memory_space<vmem>>, vector<16xi32>,
          %parallel_loop3A_90 = arith.index_cast %parallel_loop3A_85 : i32 to index
          %parallel_loop3A_91 = tpu.vector_load %arg10[%parallel_loop3A_90] {strides = array<i32>} : memref<1248xf32, #tpu.memory_space<vmem>>, vector<16xf32>,
          %parallel_loop3A_92 = arith.index_cast %parallel_loop3A_85 : i32 to index
          %parallel_loop3A_93 = tpu.vector_load %arg11[%parallel_loop3A_92] {strides = array<i32>} : memref<1248xi32, #tpu.memory_space<vmem>>, vector<16xi32>,
          %parallel_loop3A_94 = arith.constant 100 : i32
          %parallel_loop3A_95 = arith.subi %parallel_loop3A_85, %parallel_loop3A_94 : i32
          %parallel_loop3A_96 = arith.index_cast %parallel_loop3A_95 : i32 to index
          %parallel_loop3A_97 = tpu.vector_load %arg10[%parallel_loop3A_96] {strides = array<i32>} : memref<1248xf32, #tpu.memory_space<vmem>>, vector<16xf32>,
          %parallel_loop3A_98 = arith.constant 100 : i32
          %parallel_loop3A_99 = arith.subi %parallel_loop3A_85, %parallel_loop3A_98 : i32
          %parallel_loop3A_100 = arith.index_cast %parallel_loop3A_99 : i32 to index
          %parallel_loop3A_101 = tpu.vector_load %arg11[%parallel_loop3A_100] {strides = array<i32>} : memref<1248xi32, #tpu.memory_space<vmem>>, vector<16xi32>,
          %parallel_loop3A_102 = arith.constant 100 : i32
          %parallel_loop3A_103 = arith.addi %parallel_loop3A_85, %parallel_loop3A_102 : i32
          %parallel_loop3A_104 = arith.index_cast %parallel_loop3A_103 : i32 to index
          %parallel_loop3A_105 = tpu.vector_load %arg10[%parallel_loop3A_104] {strides = array<i32>} : memref<1248xf32, #tpu.memory_space<vmem>>, vector<16xf32>,
          %parallel_loop3A_106 = arith.constant 100 : i32
          %parallel_loop3A_107 = arith.addi %parallel_loop3A_85, %parallel_loop3A_106 : i32
          %parallel_loop3A_108 = arith.index_cast %parallel_loop3A_107 : i32 to index
          %parallel_loop3A_109 = tpu.vector_load %arg11[%parallel_loop3A_108] {strides = array<i32>} : memref<1248xi32, #tpu.memory_space<vmem>>, vector<16xi32>,
          %parallel_loop3A_110 = arith.constant 1 : i32
          %parallel_loop3A_111 = vector.broadcast %parallel_loop3A_110 : i32 to vector<16xi32>
          %parallel_loop3A_112 = arith.andi %parallel_loop3A_89, %parallel_loop3A_111 : vector<16xi32>
          %parallel_loop3A_113 = arith.constant 0 : i32
          %parallel_loop3A_114 = vector.broadcast %parallel_loop3A_113 : i32 to vector<16xi32>
          %parallel_loop3A_115 = arith.cmpi ne, %parallel_loop3A_112, %parallel_loop3A_114 : vector<16xi32>
          %parallel_loop3A_116 = arith.constant 2 : i32
          %parallel_loop3A_117 = vector.broadcast %parallel_loop3A_116 : i32 to vector<16xi32>
          %parallel_loop3A_118 = arith.andi %parallel_loop3A_89, %parallel_loop3A_117 : vector<16xi32>
          %parallel_loop3A_119 = arith.constant 0 : i32
          %parallel_loop3A_120 = vector.broadcast %parallel_loop3A_119 : i32 to vector<16xi32>
          %parallel_loop3A_121 = arith.cmpi ne, %parallel_loop3A_118, %parallel_loop3A_120 : vector<16xi32>
          %parallel_loop3A_122 = arith.constant -2.000000e+00 : f32
          %parallel_loop3A_123 = vector.broadcast %parallel_loop3A_122 : f32 to vector<16xf32>
          %parallel_loop3A_124 = arith.select %parallel_loop3A_115, %parallel_loop3A_97, %parallel_loop3A_123 : vector<16xi1>, vector<16xf32>
          %parallel_loop3A_125 = arith.constant 536870912 : i32
          %parallel_loop3A_126 = vector.broadcast %parallel_loop3A_125 : i32 to vector<16xi32>
          %parallel_loop3A_127 = arith.select %parallel_loop3A_115, %parallel_loop3A_101, %parallel_loop3A_126 : vector<16xi1>, vector<16xi32>
          %parallel_loop3A_128 = arith.constant -2.000000e+00 : f32
          %parallel_loop3A_129 = vector.broadcast %parallel_loop3A_128 : f32 to vector<16xf32>
          %parallel_loop3A_130 = arith.select %parallel_loop3A_121, %parallel_loop3A_105, %parallel_loop3A_129 : vector<16xi1>, vector<16xf32>
          %parallel_loop3A_131 = arith.constant 536870912 : i32
          %parallel_loop3A_132 = vector.broadcast %parallel_loop3A_131 : i32 to vector<16xi32>
          %parallel_loop3A_133 = arith.select %parallel_loop3A_121, %parallel_loop3A_109, %parallel_loop3A_132 : vector<16xi1>, vector<16xi32>
          %parallel_loop3A_134 = arith.cmpf ogt, %parallel_loop3A_91, %parallel_loop3A_124 : vector<16xf32>
          %parallel_loop3A_135 = arith.cmpf oeq, %parallel_loop3A_91, %parallel_loop3A_124 : vector<16xf32>
          %parallel_loop3A_136 = arith.cmpi slt, %parallel_loop3A_93, %parallel_loop3A_127 : vector<16xi32>
          %parallel_loop3A_137 = arith.andi %parallel_loop3A_135, %parallel_loop3A_136 : vector<16xi1>
          %parallel_loop3A_138 = arith.ori %parallel_loop3A_134, %parallel_loop3A_137 : vector<16xi1>
          %parallel_loop3A_139 = arith.select %parallel_loop3A_138, %parallel_loop3A_91, %parallel_loop3A_124 : vector<16xi1>, vector<16xf32>
          %parallel_loop3A_140 = arith.select %parallel_loop3A_138, %parallel_loop3A_93, %parallel_loop3A_127 : vector<16xi1>, vector<16xi32>
          %parallel_loop3A_141 = arith.cmpf ogt, %parallel_loop3A_139, %parallel_loop3A_130 : vector<16xf32>
          %parallel_loop3A_142 = arith.cmpf oeq, %parallel_loop3A_139, %parallel_loop3A_130 : vector<16xf32>
          %parallel_loop3A_143 = arith.cmpi slt, %parallel_loop3A_140, %parallel_loop3A_133 : vector<16xi32>
          %parallel_loop3A_144 = arith.andi %parallel_loop3A_142, %parallel_loop3A_143 : vector<16xi1>
          %parallel_loop3A_145 = arith.ori %parallel_loop3A_141, %parallel_loop3A_144 : vector<16xi1>
          %parallel_loop3A_146 = arith.select %parallel_loop3A_145, %parallel_loop3A_139, %parallel_loop3A_130 : vector<16xi1>, vector<16xf32>
          %parallel_loop3A_147 = arith.select %parallel_loop3A_145, %parallel_loop3A_140, %parallel_loop3A_133 : vector<16xi1>, vector<16xi32>
          %parallel_loop3A_148 = arith.index_cast %parallel_loop3A_85 : i32 to index
          %parallel_loop3A_149 = tpu.vector_load %arg6[%parallel_loop3A_148] {strides = array<i32>} : memref<1248xf32, #tpu.memory_space<vmem>>, vector<16xf32>,
          %parallel_loop3A_150 = arith.index_cast %parallel_loop3A_85 : i32 to index
          %parallel_loop3A_151 = tpu.vector_load %arg7[%parallel_loop3A_150] {strides = array<i32>} : memref<1248xi32, #tpu.memory_space<vmem>>, vector<16xi32>,
          %parallel_loop3A_152 = arith.constant 1 : i32
          %parallel_loop3A_153 = vector.broadcast %parallel_loop3A_152 : i32 to vector<16xi32>
          %parallel_loop3A_154 = arith.andi %parallel_loop3A_151, %parallel_loop3A_153 : vector<16xi32>
          %parallel_loop3A_155 = arith.constant 1 : i32
          %parallel_loop3A_156 = vector.broadcast %parallel_loop3A_155 : i32 to vector<16xi32>
          %parallel_loop3A_157 = arith.cmpi eq, %parallel_loop3A_154, %parallel_loop3A_156 : vector<16xi32>
          %parallel_loop3A_158 = arith.constant 0.000000e+00 : f32
          %parallel_loop3A_159 = vector.broadcast %parallel_loop3A_158 : f32 to vector<16xf32>
          %parallel_loop3A_160 = arith.cmpf ogt, %parallel_loop3A_149, %parallel_loop3A_159 : vector<16xf32>
          %parallel_loop3A_161 = arith.constant dense<true> : vector<16xi1>
          %parallel_loop3A_162 = arith.xori %parallel_loop3A_157, %parallel_loop3A_161 : vector<16xi1>
          %parallel_loop3A_163 = arith.andi %parallel_loop3A_160, %parallel_loop3A_162 : vector<16xi1>
          %parallel_loop3A_164 = arith.cmpi eq, %parallel_loop3A_147, %parallel_loop3A_151 : vector<16xi32>
          %parallel_loop3A_165 = arith.andi %parallel_loop3A_163, %parallel_loop3A_164 : vector<16xi1>
          %parallel_loop3A_166 = arith.constant 1 : i32
          %parallel_loop3A_167 = vector.broadcast %parallel_loop3A_166 : i32 to vector<16xi32>
          %parallel_loop3A_168 = arith.andi %parallel_loop3A_147, %parallel_loop3A_167 : vector<16xi32>
          %parallel_loop3A_169 = arith.constant 1 : i32
          %parallel_loop3A_170 = vector.broadcast %parallel_loop3A_169 : i32 to vector<16xi32>
          %parallel_loop3A_171 = arith.cmpi eq, %parallel_loop3A_168, %parallel_loop3A_170 : vector<16xi32>
          %parallel_loop3A_172 = arith.andi %parallel_loop3A_163, %parallel_loop3A_171 : vector<16xi1>
          %parallel_loop3A_173 = arith.constant dense<true> : vector<16xi1>
          %parallel_loop3A_174 = arith.xori %parallel_loop3A_164, %parallel_loop3A_173 : vector<16xi1>
          %parallel_loop3A_175 = arith.andi %parallel_loop3A_172, %parallel_loop3A_174 : vector<16xi1>
          %parallel_loop3A_176 = arith.constant 1 : i32
          %parallel_loop3A_177 = vector.broadcast %parallel_loop3A_176 : i32 to vector<16xi32>
          %parallel_loop3A_178 = arith.ori %parallel_loop3A_151, %parallel_loop3A_177 : vector<16xi32>
          %parallel_loop3A_179 = arith.select %parallel_loop3A_165, %parallel_loop3A_178, %parallel_loop3A_151 : vector<16xi1>, vector<16xi32>
          %parallel_loop3A_180 = arith.index_cast %parallel_loop3A_85 : i32 to index
          %parallel_loop3A_181 = tpu.vector_load %arg7[%parallel_loop3A_180] {strides = array<i32>} : memref<1248xi32, #tpu.memory_space<vmem>>, vector<16xi32>,
          tpu.vector_store %arg7[%parallel_loop3A_180], %parallel_loop3A_179 {strides = array<i32>} : memref<1248xi32, #tpu.memory_space<vmem>>, vector<16xi32>,
          %parallel_loop3A_182 = arith.constant -1.000000e+00 : f32
          %parallel_loop3A_183 = vector.broadcast %parallel_loop3A_182 : f32 to vector<16xf32>
          %parallel_loop3A_184 = arith.select %parallel_loop3A_175, %parallel_loop3A_183, %parallel_loop3A_149 : vector<16xi1>, vector<16xf32>
          %parallel_loop3A_185 = arith.index_cast %parallel_loop3A_85 : i32 to index
          %parallel_loop3A_186 = tpu.vector_load %arg6[%parallel_loop3A_185] {strides = array<i32>} : memref<1248xf32, #tpu.memory_space<vmem>>, vector<16xf32>,
          tpu.vector_store %arg6[%parallel_loop3A_185], %parallel_loop3A_184 {strides = array<i32>} : memref<1248xf32, #tpu.memory_space<vmem>>, vector<16xf32>,
          %parallel_loop3A_187 = arith.constant dense<true> : vector<16xi1>
          %parallel_loop3A_188 = arith.xori %parallel_loop3A_165, %parallel_loop3A_187 : vector<16xi1>
          %parallel_loop3A_189 = arith.andi %parallel_loop3A_163, %parallel_loop3A_188 : vector<16xi1>
          %parallel_loop3A_190 = arith.constant dense<true> : vector<16xi1>
          %parallel_loop3A_191 = arith.xori %parallel_loop3A_175, %parallel_loop3A_190 : vector<16xi1>
          %parallel_loop3A_192 = arith.andi %parallel_loop3A_189, %parallel_loop3A_191 : vector<16xi1>
          %parallel_loop3A_193 = arith.ori %parallel_loop3A_81, %parallel_loop3A_192 : vector<16xi1>
          scf.yield %parallel_loop3A_193 : vector<16xi1>
        } {sc.loop_unroll_factor = 8 : i64, sc.parallel_access}
        %reduce_or3A_69 = arith.constant 1.000000e+00 : f32
        %reduce_or3A_70 = arith.constant 0.000000e+00 : f32
        %reduce_or3A_71 = vector.broadcast %reduce_or3A_69 : f32 to vector<16xf32>
        %reduce_or3A_72 = vector.broadcast %reduce_or3A_70 : f32 to vector<16xf32>
        %reduce_or3A_73 = arith.select %parallel_loop3A_68, %reduce_or3A_71, %reduce_or3A_72 : vector<16xi1>, vector<16xf32>
        %reduce_or3A_74 = arith.constant true
        %reduce_or3A_75 = vector.broadcast %reduce_or3A_74 : i1 to vector<16xi1>
        %reduce_or3A_76 = tpu.scan <max>, %reduce_or3A_73 masked %reduce_or3A_75 : vector<16xf32>, vector<16xi1> -> vector<16xf32>
        %reduce_or3A_77 = vector.extract %reduce_or3A_76[15] : f32 from vector<16xf32>
        %reduce_or3A_78 = arith.constant 0.000000e+00 : f32
        %reduce_or3A_79 = arith.cmpf ogt, %reduce_or3A_77, %reduce_or3A_78 : f32
        scf.yield %reduce_or3A_79 : i1
      }
      %parallel_loop3A_25 = arith.constant 0 : i32
      %parallel_loop3A_26 = arith.constant 64 : i32
      %parallel_loop3A_27 = arith.constant 1 : i32
      %parallel_loop3A_28 = scf.for %parallel_loop3A_58 = %parallel_loop3A_25 to %parallel_loop3A_26 step %parallel_loop3A_27 iter_args(%parallel_loop3A_59 = %broadcast_in_dim3A_9) -> (vector<16xi32>)  : i32 {
        %parallel_loop3A_60 = arith.constant 16 : i32
        %parallel_loop3A_61 = arith.muli %parallel_loop3A_58, %parallel_loop3A_60 : i32
        %parallel_loop3A_62 = arith.constant 112 : i32
        %parallel_loop3A_63 = arith.addi %parallel_loop3A_62, %parallel_loop3A_61 : i32
        %parallel_loop3A_64 = arith.index_cast %parallel_loop3A_63 : i32 to index
        %parallel_loop3A_65 = tpu.vector_load %arg7[%parallel_loop3A_64] {strides = array<i32>} : memref<1248xi32, #tpu.memory_space<vmem>>, vector<16xi32>,
        %parallel_loop3A_66 = arith.constant 1 : i32
        %parallel_loop3A_67 = vector.broadcast %parallel_loop3A_66 : i32 to vector<16xi32>
        %parallel_loop3A_68 = arith.andi %parallel_loop3A_65, %parallel_loop3A_67 : vector<16xi32>
        %parallel_loop3A_69 = arith.addi %parallel_loop3A_59, %parallel_loop3A_68 : vector<16xi32>
        scf.yield %parallel_loop3A_69 : vector<16xi32>
      } {sc.loop_unroll_factor = 8 : i64, sc.parallel_access}
      %reduce_sum3A = arith.constant true
      %reduce_sum3A_29 = vector.broadcast %reduce_sum3A : i1 to vector<16xi1>
      %reduce_sum3A_30 = tpu.scan <sum>, %parallel_loop3A_28 masked %reduce_sum3A_29 : vector<16xi32>, vector<16xi1> -> vector<16xi32>
      %reduce_sum3A_31 = vector.extract %reduce_sum3A_30[15] : i32 from vector<16xi32>
      %gt3A = arith.constant 100 : i32
      %gt3A_32 = arith.cmpi sgt, %reduce_sum3A_31, %gt3A : i32
      %convert_element_type3A_33 = arith.extui %gt3A_32 : i1 to i32
      %cond3A_34 = arith.constant 0 : i32
      %cond3A_35 = arith.cmpi ne, %convert_element_type3A_33, %cond3A_34 : i32
      scf.if %cond3A_35 {
        %scan3A = arith.constant 0 : i32
        %scan3A_58 = arith.constant 1073741823 : i32
        %scan3A_59 = arith.constant 0 : i32
        %scan3A_60 = arith.constant 30 : i32
        %scan3A_61 = arith.addi %scan3A_59, %scan3A_60 : i32
        %scan3A_62 = arith.constant 1 : i32
        %scan3A_63:2 = scf.for %scan3A_81 = %scan3A_59 to %scan3A_61 step %scan3A_62 iter_args(%scan3A_82 = %scan3A, %scan3A_83 = %scan3A_58) -> (i32, i32)  : i32 {
          %add3A_84 = arith.addi %scan3A_82, %scan3A_83 : i32
          %div3A = arith.constant 2 : i32
          %div3A_85 = arith.divsi %add3A_84, %div3A : i32
          %parallel_loop3A_86 = arith.constant 0 : i32
          %parallel_loop3A_87 = arith.constant 64 : i32
          %parallel_loop3A_88 = arith.constant 1 : i32
          %parallel_loop3A_89 = scf.for %parallel_loop3A_99 = %parallel_loop3A_86 to %parallel_loop3A_87 step %parallel_loop3A_88 iter_args(%parallel_loop3A_100 = %broadcast_in_dim3A_9) -> (vector<16xi32>)  : i32 {
            %parallel_loop3A_101 = arith.constant 16 : i32
            %parallel_loop3A_102 = arith.muli %parallel_loop3A_99, %parallel_loop3A_101 : i32
            %parallel_loop3A_103 = arith.index_cast %parallel_loop3A_102 : i32 to index
            %parallel_loop3A_104 = tpu.vector_load %arg12[%parallel_loop3A_103] {strides = array<i32>} : memref<1024xi32, #tpu.memory_space<vmem>>, vector<16xi32>,
            %parallel_loop3A_105 = vector.broadcast %div3A_85 : i32 to vector<16xi32>
            %parallel_loop3A_106 = arith.cmpi sgt, %parallel_loop3A_104, %parallel_loop3A_105 : vector<16xi32>
            %parallel_loop3A_107 = arith.extui %parallel_loop3A_106 : vector<16xi1> to vector<16xi32>
            %parallel_loop3A_108 = arith.addi %parallel_loop3A_100, %parallel_loop3A_107 : vector<16xi32>
            scf.yield %parallel_loop3A_108 : vector<16xi32>
          } {sc.loop_unroll_factor = 8 : i64, sc.parallel_access}
          %reduce_sum3A_90 = arith.constant true
          %reduce_sum3A_91 = vector.broadcast %reduce_sum3A_90 : i1 to vector<16xi1>
          %reduce_sum3A_92 = tpu.scan <sum>, %parallel_loop3A_89 masked %reduce_sum3A_91 : vector<16xi32>, vector<16xi1> -> vector<16xi32>
          %reduce_sum3A_93 = vector.extract %reduce_sum3A_92[15] : i32 from vector<16xi32>
          %lt3A_94 = arith.constant 100 : i32
          %lt3A_95 = arith.cmpi slt, %reduce_sum3A_93, %lt3A_94 : i32
          %add3A_96 = arith.constant 1 : i32
          %add3A_97 = arith.addi %div3A_85, %add3A_96 : i32
          %select_n3A = arith.select %lt3A_95, %scan3A_82, %add3A_97 : i32
          %select_n3A_98 = arith.select %lt3A_95, %div3A_85, %scan3A_83 : i32
          scf.yield %select_n3A, %select_n3A_98 : i32, i32
        }
        %scan3A_64 = arith.constant 30 : i32
        %parallel_loop3A_65 = arith.constant 0 : i32
        %parallel_loop3A_66 = arith.constant 64 : i32
        %parallel_loop3A_67 = arith.constant 1 : i32
        %parallel_loop3A_68 = scf.for %parallel_loop3A_81 = %parallel_loop3A_65 to %parallel_loop3A_66 step %parallel_loop3A_67 iter_args(%parallel_loop3A_82 = %broadcast_in_dim3A_9) -> (vector<16xi32>)  : i32 {
          %parallel_loop3A_83 = arith.constant 16 : i32
          %parallel_loop3A_84 = arith.muli %parallel_loop3A_81, %parallel_loop3A_83 : i32
          %parallel_loop3A_85 = arith.index_cast %parallel_loop3A_84 : i32 to index
          %parallel_loop3A_86 = tpu.vector_load %arg12[%parallel_loop3A_85] {strides = array<i32>} : memref<1024xi32, #tpu.memory_space<vmem>>, vector<16xi32>,
          %parallel_loop3A_87 = vector.broadcast %scan3A_63#0 : i32 to vector<16xi32>
          %parallel_loop3A_88 = arith.cmpi sgt, %parallel_loop3A_86, %parallel_loop3A_87 : vector<16xi32>
          %parallel_loop3A_89 = arith.extui %parallel_loop3A_88 : vector<16xi1> to vector<16xi32>
          %parallel_loop3A_90 = arith.addi %parallel_loop3A_82, %parallel_loop3A_89 : vector<16xi32>
          scf.yield %parallel_loop3A_90 : vector<16xi32>
        } {sc.loop_unroll_factor = 8 : i64, sc.parallel_access}
        %reduce_sum3A_69 = arith.constant true
        %reduce_sum3A_70 = vector.broadcast %reduce_sum3A_69 : i1 to vector<16xi1>
        %reduce_sum3A_71 = tpu.scan <sum>, %parallel_loop3A_68 masked %reduce_sum3A_70 : vector<16xi32>, vector<16xi1> -> vector<16xi32>
        %reduce_sum3A_72 = vector.extract %reduce_sum3A_71[15] : i32 from vector<16xi32>
        %sub3A = arith.constant 100 : i32
        %sub3A_73 = arith.subi %sub3A, %reduce_sum3A_72 : i32
        %scan3A_74 = arith.constant 0 : i32
        %scan3A_75 = arith.constant 0 : i32
        %scan3A_76 = arith.constant 64 : i32
        %scan3A_77 = arith.addi %scan3A_75, %scan3A_76 : i32
        %scan3A_78 = arith.constant 1 : i32
        %scan3A_79 = scf.for %scan3A_81 = %scan3A_75 to %scan3A_77 step %scan3A_78 iter_args(%scan3A_82 = %scan3A_74) -> (i32)  : i32 {
          %mul3A_83 = arith.constant 16 : i32
          %mul3A_84 = arith.muli %scan3A_81, %mul3A_83 : i32
          %add3A_85 = arith.constant 112 : i32
          %add3A_86 = arith.addi %add3A_85, %mul3A_84 : i32
          %mul3A_87 = arith.constant 16 : i32
          %mul3A_88 = arith.muli %scan3A_81, %mul3A_87 : i32
          %get3A = arith.index_cast %mul3A_88 : i32 to index
          %get3A_89 = tpu.vector_load %arg12[%get3A] {strides = array<i32>} : memref<1024xi32, #tpu.memory_space<vmem>>, vector<16xi32>,
          %eq3A = vector.broadcast %scan3A_63#0 : i32 to vector<16xi32>
          %eq3A_90 = arith.cmpi eq, %get3A_89, %eq3A : vector<16xi32>
          %convert_element_type3A_91 = arith.extui %eq3A_90 : vector<16xi1> to vector<16xi32>
          %broadcast_in_dim3A_92 = arith.constant true
          %broadcast_in_dim3A_93 = vector.broadcast %broadcast_in_dim3A_92 : i1 to vector<16xi1>
          %masked_cumsum3A = tpu.scan <sum>, %convert_element_type3A_91 masked %broadcast_in_dim3A_93 : vector<16xi32>, vector<16xi1> -> vector<16xi32>
          %sub3A_94 = arith.subi %masked_cumsum3A, %convert_element_type3A_91 : vector<16xi32>
          %add3A_95 = vector.broadcast %scan3A_82 : i32 to vector<16xi32>
          %add3A_96 = arith.addi %add3A_95, %sub3A_94 : vector<16xi32>
          %lt3A_97 = vector.broadcast %sub3A_73 : i32 to vector<16xi32>
          %lt3A_98 = arith.cmpi slt, %add3A_96, %lt3A_97 : vector<16xi32>
          %and3A = arith.andi %eq3A_90, %lt3A_98 : vector<16xi1>
          %gt3A_99 = vector.broadcast %scan3A_63#0 : i32 to vector<16xi32>
          %gt3A_100 = arith.cmpi sgt, %get3A_89, %gt3A_99 : vector<16xi32>
          %or3A = arith.ori %gt3A_100, %and3A : vector<16xi1>
          %get3A_101 = arith.index_cast %add3A_86 : i32 to index
          %get3A_102 = tpu.vector_load %arg7[%get3A_101] {strides = array<i32>} : memref<1248xi32, #tpu.memory_space<vmem>>, vector<16xi32>,
          %and3A_103 = arith.constant -2 : i32
          %and3A_104 = vector.broadcast %and3A_103 : i32 to vector<16xi32>
          %and3A_105 = arith.andi %get3A_102, %and3A_104 : vector<16xi32>
          %select_n3A = arith.select %or3A, %get3A_102, %and3A_105 : vector<16xi1>, vector<16xi32>
          %swap3A = arith.index_cast %add3A_86 : i32 to index
          %swap3A_106 = tpu.vector_load %arg7[%swap3A] {strides = array<i32>} : memref<1248xi32, #tpu.memory_space<vmem>>, vector<16xi32>,
          tpu.vector_store %arg7[%swap3A], %select_n3A {strides = array<i32>} : memref<1248xi32, #tpu.memory_space<vmem>>, vector<16xi32>,
          %reduce_max3A = arith.constant true
          %reduce_max3A_107 = vector.broadcast %reduce_max3A : i1 to vector<16xi1>
          %reduce_max3A_108 = arith.constant -2147483648 : i32
          %reduce_max3A_109 = vector.broadcast %reduce_max3A_108 : i32 to vector<16xi32>
          %reduce_max3A_110 = arith.xori %masked_cumsum3A, %reduce_max3A_109 : vector<16xi32>
          %reduce_max3A_111 = tpu.scan <max>, %reduce_max3A_110 masked %reduce_max3A_107 : vector<16xi32>, vector<16xi1> -> vector<16xi32>
          %reduce_max3A_112 = arith.xori %reduce_max3A_111, %reduce_max3A_109 : vector<16xi32>
          %reduce_max3A_113 = vector.extract %reduce_max3A_112[15] : i32 from vector<16xi32>
          %add3A_114 = arith.addi %scan3A_82, %reduce_max3A_113 : i32
          scf.yield %add3A_114 : i32
        }
        %scan3A_80 = arith.constant 64 : i32
      } else {
      }
      %dma_wait3A = arith.constant 0 : i32
      %dma_wait3A_36 = tpu.memref_slice %arg5[%dma_wait3A] : memref<1024xf32, #tpu.memory_space<vmem>> -> memref<1000xf32, #tpu.memory_space<vmem>>
      %dma_wait3A_37 = tpu.memref_slice %arg2[%add3A_3] : memref<32000xf32, #tpu.memory_space<hbm>> -> memref<1000xf32, #tpu.memory_space<hbm>>
      %dma_wait3A_38 = arith.constant 0 : i32
      %dma_wait3A_39 = tpu.memref_slice %arg5[%dma_wait3A_38] : memref<1024xf32, #tpu.memory_space<vmem>> -> memref<1000xf32, #tpu.memory_space<vmem>>
      %dma_wait3A_40 = tpu.memref_slice %arg2[%add3A_3] : memref<32000xf32, #tpu.memory_space<hbm>> -> memref<1000xf32, #tpu.memory_space<hbm>>
      tpu.wait_dma2 semaphore(%arg16 : memref<!tpu.dma_semaphore, #tpu.memory_space<semaphore_mem>>) src(%dma_wait3A_40 : memref<1000xf32, #tpu.memory_space<hbm>>) dst(%dma_wait3A_39 : memref<1000xf32, #tpu.memory_space<vmem>>)
      %parallel_loop3A_41 = arith.constant 0 : i32
      %parallel_loop3A_42 = arith.constant 64 : i32
      %parallel_loop3A_43 = arith.constant 1 : i32
      scf.for %parallel_loop3A_58 = %parallel_loop3A_41 to %parallel_loop3A_42 step %parallel_loop3A_43  : i32 {
        %parallel_loop3A_59 = arith.constant 16 : i32
        %parallel_loop3A_60 = arith.muli %parallel_loop3A_58, %parallel_loop3A_59 : i32
        %parallel_loop3A_61 = arith.constant 112 : i32
        %parallel_loop3A_62 = arith.addi %parallel_loop3A_61, %parallel_loop3A_60 : i32
        %parallel_loop3A_63 = arith.constant 16 : i32
        %parallel_loop3A_64 = arith.muli %parallel_loop3A_58, %parallel_loop3A_63 : i32
        %parallel_loop3A_65 = arith.index_cast %parallel_loop3A_62 : i32 to index
        %parallel_loop3A_66 = tpu.vector_load %arg7[%parallel_loop3A_65] {strides = array<i32>} : memref<1248xi32, #tpu.memory_space<vmem>>, vector<16xi32>,
        %parallel_loop3A_67 = arith.constant 1 : i32
        %parallel_loop3A_68 = vector.broadcast %parallel_loop3A_67 : i32 to vector<16xi32>
        %parallel_loop3A_69 = arith.andi %parallel_loop3A_66, %parallel_loop3A_68 : vector<16xi32>
        %parallel_loop3A_70 = arith.constant 1 : i32
        %parallel_loop3A_71 = vector.broadcast %parallel_loop3A_70 : i32 to vector<16xi32>
        %parallel_loop3A_72 = arith.cmpi eq, %parallel_loop3A_69, %parallel_loop3A_71 : vector<16xi32>
        %parallel_loop3A_73 = arith.constant true
        %parallel_loop3A_74 = arith.xori %reduce_or3A_24, %parallel_loop3A_73 : i1
        %parallel_loop3A_75 = vector.broadcast %parallel_loop3A_74 : i1 to vector<16xi1>
        %parallel_loop3A_76 = arith.ori %parallel_loop3A_72, %parallel_loop3A_75 : vector<16xi1>
        %parallel_loop3A_77 = arith.index_cast %parallel_loop3A_64 : i32 to index
        %parallel_loop3A_78 = tpu.vector_load %arg4[%parallel_loop3A_77] {strides = array<i32>} : memref<1024xf32, #tpu.memory_space<vmem>>, vector<16xf32>,
        %parallel_loop3A_79 = arith.constant 0.000000e+00 : f32
        %parallel_loop3A_80 = vector.broadcast %parallel_loop3A_79 : f32 to vector<16xf32>
        %parallel_loop3A_81 = arith.select %parallel_loop3A_76, %parallel_loop3A_78, %parallel_loop3A_80 : vector<16xi1>, vector<16xf32>
        %parallel_loop3A_82 = arith.index_cast %parallel_loop3A_64 : i32 to index
        %parallel_loop3A_83 = tpu.vector_load %arg4[%parallel_loop3A_82] {strides = array<i32>} : memref<1024xf32, #tpu.memory_space<vmem>>, vector<16xf32>,
        tpu.vector_store %arg4[%parallel_loop3A_82], %parallel_loop3A_81 {strides = array<i32>} : memref<1024xf32, #tpu.memory_space<vmem>>, vector<16xf32>,
        %parallel_loop3A_84 = arith.index_cast %parallel_loop3A_64 : i32 to index
        %parallel_loop3A_85 = tpu.vector_load %arg5[%parallel_loop3A_84] {strides = array<i32>} : memref<1024xf32, #tpu.memory_space<vmem>>, vector<16xf32>,
        %parallel_loop3A_86 = arith.constant 0.000000e+00 : f32
        %parallel_loop3A_87 = vector.broadcast %parallel_loop3A_86 : f32 to vector<16xf32>
        %parallel_loop3A_88 = arith.select %parallel_loop3A_76, %parallel_loop3A_85, %parallel_loop3A_87 : vector<16xi1>, vector<16xf32>
        %parallel_loop3A_89 = arith.index_cast %parallel_loop3A_64 : i32 to index
        %parallel_loop3A_90 = tpu.vector_load %arg5[%parallel_loop3A_89] {strides = array<i32>} : memref<1024xf32, #tpu.memory_space<vmem>>, vector<16xf32>,
        tpu.vector_store %arg5[%parallel_loop3A_89], %parallel_loop3A_88 {strides = array<i32>} : memref<1024xf32, #tpu.memory_space<vmem>>, vector<16xf32>,
      } {sc.loop_unroll_factor = 8 : i64, sc.parallel_access}
      %dma_start3A_44 = arith.constant 0 : i32
      %dma_start3A_45 = tpu.memref_slice %arg4[%dma_start3A_44] : memref<1024xf32, #tpu.memory_space<vmem>> -> memref<1000xf32, #tpu.memory_space<vmem>>
      %dma_start3A_46 = tpu.memref_slice %arg3[%mul3A_2] : memref<32000xf32, #tpu.memory_space<hbm>> -> memref<1000xf32, #tpu.memory_space<hbm>>
      %dma_start3A_47 = tpu.memref_slice %arg3[%mul3A_2] : memref<32000xf32, #tpu.memory_space<hbm>> -> memref<1000xf32, #tpu.memory_space<hbm>>
      %dma_start3A_48 = arith.constant 0 : i32
      %dma_start3A_49 = tpu.memref_slice %arg4[%dma_start3A_48] : memref<1024xf32, #tpu.memory_space<vmem>> -> memref<1000xf32, #tpu.memory_space<vmem>>
      tpu.enqueue_dma source(%dma_start3A_49 : memref<1000xf32, #tpu.memory_space<vmem>>) target(%dma_start3A_47 : memref<1000xf32, #tpu.memory_space<hbm>>) target_semaphore(%arg16 : memref<!tpu.dma_semaphore, #tpu.memory_space<semaphore_mem>>)
      %add3A_50 = arith.constant 1000 : i32
      %add3A_51 = arith.addi %mul3A_2, %add3A_50 : i32
      "tpu.region"() ({
        %run_scoped3A = tpu.sem_alloc : memref<!tpu.dma_semaphore, #tpu.memory_space<semaphore_mem>>
        %dma_start3A_58 = arith.constant 0 : i32
        %dma_start3A_59 = tpu.memref_slice %arg5[%dma_start3A_58] : memref<1024xf32, #tpu.memory_space<vmem>> -> memref<1000xf32, #tpu.memory_space<vmem>>
        %dma_start3A_60 = tpu.memref_slice %arg3[%add3A_51] : memref<32000xf32, #tpu.memory_space<hbm>> -> memref<1000xf32, #tpu.memory_space<hbm>>
        %dma_start3A_61 = tpu.memref_slice %arg3[%add3A_51] : memref<32000xf32, #tpu.memory_space<hbm>> -> memref<1000xf32, #tpu.memory_space<hbm>>
        %dma_start3A_62 = arith.constant 0 : i32
        %dma_start3A_63 = tpu.memref_slice %arg5[%dma_start3A_62] : memref<1024xf32, #tpu.memory_space<vmem>> -> memref<1000xf32, #tpu.memory_space<vmem>>
        tpu.enqueue_dma source(%dma_start3A_63 : memref<1000xf32, #tpu.memory_space<vmem>>) target(%dma_start3A_61 : memref<1000xf32, #tpu.memory_space<hbm>>) target_semaphore(%run_scoped3A : memref<!tpu.dma_semaphore, #tpu.memory_space<semaphore_mem>>)
        %dma_wait3A_64 = arith.constant 0 : i32
        %dma_wait3A_65 = tpu.memref_slice %arg5[%dma_wait3A_64] : memref<1024xf32, #tpu.memory_space<vmem>> -> memref<1000xf32, #tpu.memory_space<vmem>>
        %dma_wait3A_66 = tpu.memref_slice %arg3[%add3A_51] : memref<32000xf32, #tpu.memory_space<hbm>> -> memref<1000xf32, #tpu.memory_space<hbm>>
        %dma_wait3A_67 = tpu.memref_slice %arg3[%add3A_51] : memref<32000xf32, #tpu.memory_space<hbm>> -> memref<1000xf32, #tpu.memory_space<hbm>>
        %dma_wait3A_68 = arith.constant 0 : i32
        %dma_wait3A_69 = tpu.memref_slice %arg5[%dma_wait3A_68] : memref<1024xf32, #tpu.memory_space<vmem>> -> memref<1000xf32, #tpu.memory_space<vmem>>
        tpu.wait_dma2 semaphore(%run_scoped3A : memref<!tpu.dma_semaphore, #tpu.memory_space<semaphore_mem>>) src(%dma_wait3A_69 : memref<1000xf32, #tpu.memory_space<vmem>>) dst(%dma_wait3A_67 : memref<1000xf32, #tpu.memory_space<hbm>>)
        tpu.yield
      }) : () -> ()
      %dma_wait3A_52 = arith.constant 0 : i32
      %dma_wait3A_53 = tpu.memref_slice %arg4[%dma_wait3A_52] : memref<1024xf32, #tpu.memory_space<vmem>> -> memref<1000xf32, #tpu.memory_space<vmem>>
      %dma_wait3A_54 = tpu.memref_slice %arg3[%mul3A_2] : memref<32000xf32, #tpu.memory_space<hbm>> -> memref<1000xf32, #tpu.memory_space<hbm>>
      %dma_wait3A_55 = tpu.memref_slice %arg3[%mul3A_2] : memref<32000xf32, #tpu.memory_space<hbm>> -> memref<1000xf32, #tpu.memory_space<hbm>>
      %dma_wait3A_56 = arith.constant 0 : i32
      %dma_wait3A_57 = tpu.memref_slice %arg4[%dma_wait3A_56] : memref<1024xf32, #tpu.memory_space<vmem>> -> memref<1000xf32, #tpu.memory_space<vmem>>
      tpu.wait_dma2 semaphore(%arg16 : memref<!tpu.dma_semaphore, #tpu.memory_space<semaphore_mem>>) src(%dma_wait3A_57 : memref<1000xf32, #tpu.memory_space<vmem>>) dst(%dma_wait3A_55 : memref<1000xf32, #tpu.memory_space<hbm>>)
    } else {
    }
    return
  }
}

</mosaic_0001>

<sc_bundles>
// kernel: kernel.3.cloned.1.call-start
scs
__scs_entry_jumppad:
0x0: {  	(pc) =	sbr.rel $0x88, $3  }
0x1: {  	(tag) =	ssettag $0x0;
	lr =	simm.s32 $0x1  }
0x2: {  	[smem:$0x3FA0] =	sst lr;
	_ =	strace $0xD0000000  }
0x3: {  	_ = 	snop  }
0x4: {  	_ = 	snop  }
0x5: {  	_ = 	snop  }
0x6: {  	_ = 	snop  }
0x7: {  	_ = 	snop  }
__scs_overlays_trampoline_lowered:
0x8: {  	[smem:$0x3FAF] =	sst s0  }
0x9: {  	[smem:$0x3FB0] =	sst s1  }
0xa: {  	[smem:$0x3FB1] =	sst s2  }
0xb: {  	[smem:$0x3FB2] =	sst s3  }
0xc: {  	[smem:$0x3FB3] =	sst s4  }
0xd: {  	[smem:$0x3FB4] =	sst s5  }
0xe: {  	[smem:$0x3FB5] =	sst s6  }
0xf: {  	[smem:$0x3FB6] =	sst s7  }
0x10: {  	[smem:$0x3FB7] =	sst s8  }
0x11: {  	[smem:$0x3FB8] =	sst s9;
	s0 =	simm.s32 @!p0 $0x0  }
0x12: {  	s1 =	sld [smem:$0x3F9E];
	s0 =	simm.s32 @p0 $0x1  }
0x13: {  	[smem:$0x3FB9] =	sst s0;
	s0 =	simm.s32 @!p1 $0x0  }
0x14: {  	s2 =	sld [smem:$0x3F9D];
	s0 =	simm.s32 @p1 $0x1  }
0x15: {  	[smem:$0x3FBA] =	sst s0;
	s0 =	simm.s32 @!p2 $0x0  }
0x16: {  	s3 =	sld [smem:$0x3FDB];
	s0 =	simm.s32 @p2 $0x1  }
0x17: {  	s4 =	simm.s32 $0x1BF5;
	[smem:$0x3FBC] =	sst s0  }
0x18: {  	s0 =	sld [smem:$0x3F9F];
	_ =	swait.ge [sflag:s4], $0x0  }
0x19: {  	s7 =	sld [smem:$0x3FA0]  }
0x1a: {  	s8 =	sadd.s32 $0xFFFFE003, lr  }
0x1b: {  	s9 =	sadd.s32 $0xFFFFFEF7, lr;
	s5 =	simm.s32 $0xFFFFFFFF;
	p2 =	slt.u32 s8, $0xFFFFF086  }
0x1c: {  	p1 =	slt.u32 s9, $0xF7A;
	s5 =	simm.s32 @!p2 $0x0  }
0x1d: {  	s5 =	simm.s32 @p1 $0x1;
	p0 =	seq.s32 s7, s2  }
0x1e: {  	s7 =	smul.u32 @!p0 $0xF7A, s2;
	p2 =	seq.s32 @!p0 s5, $0x0  }
0x1f: {  	s9 =	smul.u32 $0xF7A, s1;
	s8 =	simm.s32 @!p0 $0x1BF5;
	p2 =	por !p2, p0  }
0x20: {  	[sflag:s8] =	ssyncset.s32 @!p0 $0xFFFFF086;
	s6 =	sadd.s32 @!p0 s3, s7;
	s7 =	simm.s32 @!p0 $0x108  }
0x21: {  	s3 =	sadd.s32 s3, s9;
	s6 =	sadd.s32 @!p0 $0x88, s6;
	s7 =	simm.s32 @p2 $0x1082  }
0x22: {  	[simem:s7], [sflag:s8] =	dma.local @!p0 [hbm:s6], $0xF7A  }
0x23: {  	s9 =	sor.u32 $0xD0000000, s2;
	s6 =	simm.s32 $0x108;
	_ =	swait.ge @!p0 [sflag:s8], $0x0  }
0x24: {  	s3 =	sadd.s32 $0x88, s3;
	s6 =	simm.s32 @!p1 $0x1082;
	[sflag:s4] =	ssyncset.s32 $0xFFFFF086  }
0x25: {  	[simem:s6], [sflag:s4] =	dma.local [hbm:s3], $0xF7A  }
0x26: {  	[smem:$0x3FA0] =	sst s1;
	(tag) =	ssettag s2;
	_ =	strace s9  }
0x27: {  	s1 =	sld [smem:$0x3FB0]  }
0x28: {  	s2 =	sld [smem:$0x3FB1]  }
0x29: {  	s4 =	sld [smem:$0x3FB3]  }
0x2a: {  	p0 =	seq.s32 s5, $0x0;
	s5 =	sld [smem:$0x3FB4]  }
0x2b: {  	s6 =	sld [smem:$0x3FB5]  }
0x2c: {  	s7 =	sld [smem:$0x3FB6]  }
0x2d: {  	s3 =	simm.s32 $0x108;
	s8 =	sld [smem:$0x3FB7]  }
0x2e: {  	s3 =	simm.s32 @!p0 $0x1082;
	s9 =	sld [smem:$0x3FB8]  }
0x2f: {  	lr =	sadd.s32 s0, s3;
	s0 =	sld [smem:$0x3FAF]  }
0x30: {  	s3 =	sld [smem:$0x3FB2]  }
0x31: {  	[smem:$0x3FBB] =	sst s10  }
0x32: {  	s10 =	sld [smem:$0x3FB9];
	_ =	sdelay $0x3  }
0x33: {  	p0 =	seq.s32 s10, $0x1;
	s10 =	sld [smem:$0x3FBB];
	_ =	sdelay $0x3  }
0x34: {  	[smem:$0x3FBB] =	sst s10  }
0x35: {  	s10 =	sld [smem:$0x3FBA];
	_ =	sdelay $0x3  }
0x36: {  	p1 =	seq.s32 s10, $0x1;
	s10 =	sld [smem:$0x3FBB];
	_ =	sdelay $0x3  }
0x37: {  	[smem:$0x3FBB] =	sst s10  }
0x38: {  	s10 =	sld [smem:$0x3FBC]  }
0x39: {  	_ = 	snop;
	(pc) =	sbr.ind lr, $3  }
0x3a: {  	_ = 	snop  }
0x3b: {  	_ = 	snop  }
0x3c: {  	p2 =	seq.s32 s10, $0x1;
	s10 =	sld [smem:$0x3FBB]  }
0x3d: {  	_ =	shalt  }
0x3e: {  	_ =	shalt  }
0x3f: {  	_ =	shalt  }
0x40: {  	_ =	shalt  }
0x41: {  	_ =	shalt  }
0x42: {  	_ =	shalt  }
0x43: {  	_ =	shalt  }
0x44: {  	_ =	shalt  }
0x45: {  	_ =	shalt  }
0x46: {  	_ =	shalt  }
0x47: {  	_ =	shalt  }
0x48: {  	_ =	shalt  }
0x49: {  	_ =	shalt  }
0x4a: {  	_ =	shalt  }
0x4b: {  	_ =	shalt  }
0x4c: {  	_ =	shalt  }
0x4d: {  	_ =	shalt  }
0x4e: {  	_ =	shalt  }
0x4f: {  	_ =	shalt  }
0x50: {  	_ =	shalt  }
0x51: {  	_ =	shalt  }
0x52: {  	_ =	shalt  }
0x53: {  	_ =	shalt  }
0x54: {  	_ =	shalt  }
0x55: {  	_ =	shalt  }
0x56: {  	_ =	shalt  }
0x57: {  	_ =	shalt  }
0x58: {  	_ =	shalt  }
0x59: {  	_ =	shalt  }
0x5a: {  	_ =	shalt  }
0x5b: {  	_ =	shalt  }
0x5c: {  	_ =	shalt  }
0x5d: {  	_ =	shalt  }
0x5e: {  	_ =	shalt  }
0x5f: {  	_ =	shalt  }
0x60: {  	_ =	shalt  }
0x61: {  	_ =	shalt  }
0x62: {  	_ =	shalt  }
0x63: {  	_ =	shalt  }
0x64: {  	_ =	shalt  }
0x65: {  	_ =	shalt  }
0x66: {  	_ =	shalt  }
0x67: {  	_ =	shalt  }
0x68: {  	_ =	shalt  }
0x69: {  	_ =	shalt  }
0x6a: {  	_ =	shalt  }
0x6b: {  	_ =	shalt  }
0x6c: {  	_ =	shalt  }
0x6d: {  	_ =	shalt  }
0x6e: {  	_ =	shalt  }
0x6f: {  	_ =	shalt  }
0x70: {  	_ =	shalt  }
0x71: {  	_ =	shalt  }
0x72: {  	_ =	shalt  }
0x73: {  	_ =	shalt  }
0x74: {  	_ =	shalt  }
0x75: {  	_ =	shalt  }
0x76: {  	_ =	shalt  }
0x77: {  	_ =	shalt  }
0x78: {  	_ =	shalt  }
0x79: {  	_ =	shalt  }
0x7a: {  	_ =	shalt  }
0x7b: {  	_ =	shalt  }
0x7c: {  	_ =	shalt  }
0x7d: {  	_ =	shalt  }
0x7e: {  	_ =	shalt  }
0x7f: {  	_ =	shalt  }
0x80: {  	_ =	shalt  }
0x81: {  	_ =	shalt  }
0x82: {  	_ =	shalt  }
0x83: {  	_ =	shalt  }
0x84: {  	_ =	shalt  }
0x85: {  	_ =	shalt  }
0x86: {  	_ =	shalt  }
0x87: {  	_ =	shalt  }
.Lfunc_end0:
.L_simem_size_0:
called_computation_lowered:
.L_overlay_start_0:
0x88: {  	s0 =	sld [smem:$0x3FD9]  }
0x89: {  	s1 =	sld [smem:$0x3FFE];
	_ =	sdelay $0x3  }
0x8a: {  	s0 =	sadd.s32 s1, s0  }
0x8b: {  	[smem:$0x3FC7] =	sst s0  }
0x8c: {  	_ = 	snop  }
0x8d: {  	s0 =	sld [smem:$0x3FD0];
	(tm) =	ssettm $0x1  }
0x8e: {  	s16 =	sld [smem:$0x3FFB];
	_ =	sdelay $0x3  }
0x8f: {  	_ =	strace s16  }
0x90: {  	s1 =	sld [smem:$0x3FFC];
	_ =	sdelay $0x3  }
0x91: {  	_ =	strace s1  }
0x92: {  	s1 =	sld [smem:$0x3FFD];
	_ =	sdelay $0x3  }
0x93: {  	_ =	strace s1  }
0x94: {  	_ =	strace $0x8FFFFFFF  }
0x95: {  	s17 =	sld [smem:$0x3FDB];
	_ =	sdelay $0x1  }
0x96: {  	s2 =	simm.s32 $_scs_section_size  }
0x97: {  	s3 =	simm.s32 $_size__tile_overlayer_lowered;
	s4 =	simm.s32 $_tile_overlayer_lowered  }
0x98: {  	s20 =	simm.s32 $0x1BFF;
	s19 =	sshll.u32 s4, $0x1;
	s1 =	sadd.s32 s2, s17  }
0x99: {  	s5 =	simm.s32 $0x0;
	s18 =	sshll.u32 s3, $0x1;
	s3 =	sadd.s32 s19, s1  }
0x9a: {  	[timem:s5], [sflag:s20] =	dma.local [hbm:s3], s18  }
0x9b: {  	_ =	swait.ge [sflag:s20], s18  }
0x9c: {  	s2 =	ssub.s32 $0x0, s18;
	[sflag:s20] =	ssyncset.done $0x0  }
0x9d: {  	[sflag:s20] =	ssyncadd.s32 s2;
	_ =	sdelay $0x1  }
0x9e: {  	s21 =	simm.s32 $0x1B8B  }
0x9f: {  	_ =	swait.ge [sflag:s21], $0x1  }
0xa0: {  	[sflag:s21] =	ssyncset.done $0x0  }
0xa1: {  	s23 =	simm.s32 $0x1B8E;
	s22 =	sld [smem:$0x3FFE];
	[sflag:s21] =	ssyncadd.s32 $0xFFFFFFFF  }
0xa2: {  	s24 =	simm.s32 $execute0_lowered;
	[smem:$0x3FD2] =	sst s23  }
0xa3: {  	s3 =	sshll.u32 s24, $0x1;
	_ =	strace $0x80000046;
	[dreg:$0x1] =	wrdreg $0xFFFFFFFF  }
0xa4: {  	s25 =	simm.s32 $_size_execute0_lowered;
	s1 =	sadd.s32 s1, s3;
	[dreg:$0x0] =	wrdreg $0x0  }
0xa5: {  	s3 =	sshll.u32 s25, $0x1;
	[dreg:$0x2] =	wrdreg s1  }
0xa6: {  	[dreg:$0x3] =	wrdreg s3  }
0xa7: {  	[dreg:$0x4] =	wrdreg $0xC0  }
0xa8: {  	_ =	task [dreg:s5], $0x5FFFF  }
0xa9: {  	[dreg:$0x1] =	wrdreg $0xFFFFFFFF  }
0xaa: {  	[dreg:$0x0] =	wrdreg $0x60  }
0xab: {  	[dreg:$0x2] =	wrdreg s0  }
0xac: {  	[dreg:$0x3] =	wrdreg s22  }
0xad: {  	[dreg:$0x4] =	wrdreg $0x9  }
0xae: {  	_ =	task.clear_ibuf [dreg:s5], $0x5FFFF;
	_ =	strace $0x90000046  }
0xaf: {  	s26 =	simm.s32 $0x9;
	_ =	strace $0x80000048  }
0xb0: {  	_ =	swait.ge [sflag:s26], $0x1  }
0xb1: {  	[sflag:s26] =	ssyncadd.s32 $0xFFFFFFFF  }
0xb2: {  	_ =	strace $0x90000048  }
0xb3: {  	_ =	sfence  }
0xb4: {  	s28 =	sld [smem:$0x0];
	_ =	sdelay $0x1  }
0xb5: {  	s29 =	srdreg.scid  }
0xb6: {  	s30 =	sshll.u32 s29, $0xD;
	s31 =	sshrl.u32 s29, $0x2  }
0xb7: {  	s2 =	sand.u32 $0x4000, s30;
	s1 =	sand.u32 $0x1, s29;
	s0 =	sadd.s32 s31, s28  }
0xb8: {  	s1 =	sor.u32 s2, s1;
	s0 =	sshll.u32 s0, $0x11  }
0xb9: {  	s0 =	sor.u32 s0, s1  }
0xba: {  	s0 =	sadd.s32 $0x8F2B, s0  }
0xbb: {  	[sflag:s0] =	ssyncadd.remote.s32 $0x1  }
0xbc: {  	_ =	sfence.sel $0xFFFF  }
0xbd: {  	[dreg:$0x0] =	wrdreg $0xFFFFFFFF;
	(pc) =	sbr.abs _section_cstart, $3  }
0xbe: {  	[dreg:$0x1] =	wrdreg $0xFFFFFFFF  }
0xbf: {  	_ =	task.clear_ibuf [dreg:s5], $0x2FFFF;
	_ =	strace $0x9FFFFFFF  }
0xc0: {  	(tm) =	ssettm $0x7FFFFFFF  }
0xc1: {  	_ =	shalt  }
tec
execute0_lowered:
.L_overlay_start_1:
0x0: {  	(tag) =	ssettag $0x1  }
0x1: {  	s5 =	rddreg [dreg:$0x0]  }
0x2: {  	vm10 =	vmxor vm10, vm10;
	v0 =	vlaneseq.u32;
	v1 =	vimm.s32 $0x0;
	s23 =	simm.s32 $0x0;
	s24 =	simm.s32 $0x10;
	s9 =	simm.s32 $0x20  }
0x3: {  	s0 =	stileid.u32;
	s25 =	simm.s32 $0x50;
	s26 =	simm.s32 $0x30;
	v16 =	vor.u32 s23, v0;
	v7 =	vor.u32 s24, v0;
	v15 =	vor.u32 s9, v0  }
0x4: {  	s28 =	simm.s32 $0x60;
	s29 =	simm.s32 $0x70;
	s3 =	smul.u32 $0x7D0, s0;
	v5 =	vor.u32 s25, v0;
	v13 =	vor.u32 s26, v0;
	v8 =	vmulhi.u32 $0xCCCCCCCD, v15  }
0x5: {  	s4 =	rddreg [dreg:$0x1];
	s22 =	simm.s32 $0x40;
	v4 =	vor.u32 s28, v0;
	v9 =	vor.u32 s29, v0;
	v12 =	vmulhi.u32 $0xCCCCCCCD, v13  }
0x6: {  	s1 =	rddreg [dreg:$0x2];
	s6 =	simm.s32 $0x0;
	v3 =	vor.u32 s22, v0;
	vm2 =	vlt.u32 v5, $0x384;
	v21 =	vmulhi.u32 $0xCCCCCCCD, v5;
	s2 =	sadd.s32 $0x3E8, s3  }
0x7: {  	s8 =	simm.s32 $0x400;
	[smem:$0x7FF] =	sst s6;
	vm0 =	vlt.u32 v16, $0x3E8;
	v18 =	vshll.u32 v16, $0x1;
	v57 =	vmulhi.u32 $0xCCCCCCCD, v16;
	s2 =	sshrl.u32 s2, $0x3  }
0x8: {  	_ =	strace $0x80000047;
	vm14 =	vlt.u32 v5, $0x3E8;
	v59 =	vshll.u32 v3, $0x1;
	v44 =	vmulhi.u32 $0xCCCCCCCD, v7;
	s3 =	sshrl.u32 s3, $0x3;
	s7 =	sadd.s32 s5, s2  }
0x9: {  	v45 =	vshll.u32 v5, $0x1;
	v46 =	vmulhi.u32 $0xCCCCCCCD, v9;
	v47 =	vshll.u32 v9, $0x1;
	[tilespmem:s8], [sflag:$0x1] =	stream.linear.gather [hbm4b:s7+s6], $0x3E8, $0x38;
	[tilespmem:$0x3600] =	vst v63  }
0xa: {  	s21 =	simm.s32 $0x2;
	v63 =	vshll.u32 v15, $0x1;
	v6 =	vsel vm2, $0x2, v1;
	v12 =	vshrl.u32 v12, $0x3;
	s5 =	sadd.s32 s5, s3  }
0xb: {  	v8 =	vshrl.u32 v8, $0x3;
	v23 =	vshrl.u32 v21, $0x3;
	v19 =	vmulhi.u32 $0x1999999A, v12;
	[tilespmem:s6], [sflag:$0x2] =	stream.linear.gather [hbm4b:s5+s6], $0x3E8, $0x38;
	[tilespmem:$0x3600] =	vst v63  }
0xc: {  	v44 =	vshrl.u32 v44, $0x3;
	v14 =	vmul.u32 $0xFFFFFFF6, v12;
	v26 =	vmulhi.u32 $0x1999999A, v8;
	_ =	swait.ge [sflag:s21], $0x3E8  }
0xd: {  	v53 =	vmul.u32 $0xFFFFFFF6, v23;
	v54 =	vmul.u32 $0xFFFFFFF6, v8;
	v62 =	vmulhi.u32 $0x1999999A, v44;
	[sflag:s21] =	ssyncset.done $0x0  }
0xe: {  	v61 =	vmul.u32 $0xFFFFFFF6, v44;
	v49 =	vmulhi.u32 $0x1999999A, v23;
	v22 =	vadd.s32 v13, v14;
	[sflag:s21] =	ssyncadd.s32 $0xFFFFFC18  }
0xf: {  	v52 =	vmul.u32 $0xA, v19;
	v14 =	vadd.s32 v5, v53;
	v19 =	vadd.s32 v15, v54;
	v2 =	vld [tilespmem:s22+$0xFFFFFFC0]  }
0x10: {  	v26 =	vmul.u32 $0xA, v26;
	v51 =	vmul.u32 $0xA, v62;
	v53 =	vmul.u32 $0xA, v49;
	v17 =	vld [tilespmem:s22+$0x30]  }
0x11: {  	vm7 =	vne.s32 v22, $0x0;
	vm12 =	vne.s32 v14, $0x0;
	v12 =	vsub.s32 v12, v52;
	v11 =	vld [tilespmem:s22+$0x10]  }
0x12: {  	v21 =	vsel vm7, $0x1, v1;
	v55 =	vsub.s32 v8, v26;
	v52 =	vmulhi.u32 $0xCCCCCCCD, v4;
	v10 =	vld [tilespmem:s22+$0xFFFFFFD0]  }
0x13: {  	v23 =	vsub.s32 v23, v53;
	vm15 =	vne.s32 v12, $0x0;
	vm8 =	vlt.u32 v12, $0x9;
	v27 =	vld [tilespmem:s22+$0xFFFFFFE0]  }
0x14: {  	v12 =	vsel vm12, $0x1, v1;
	vm12 =	vlt.u32 v19, $0x9;
	v24 =	vsel vm15, $0x1, v1;
	v28 =	vld [tilespmem:s22+$0xFFFFFFF0]  }
0x15: {  	v25 =	vsel vm8, $0x2, v1;
	vm15 =	vne.s32 v19, $0x0;
	v19 =	vshrl.u32 v57, $0x3;
	v56 =	vld [tilespmem:s22+$0x20]  }
0x16: {  	v29 =	vsel vm12, $0x2, v1;
	v52 =	vshrl.u32 v52, $0x3;
	v31 =	vld [tilespmem:s22+$0x0];
	v58 =	vmulhi.u32 $0x1999999A, v19  }
0x17: {  	v30 =	vsel vm15, $0x1, v1;
	v24 =	vor.u32 v24, v25;
	v53 =	vmulhi.u32 $0x1999999A, v52  }
0x18: {  	vm1 =	vlt.f32 v2, $0.0e+00;
	vm3 =	vgt.f32 v2, $0.0e+00;
	vm4 =	vlt.f32 v17, $0.0e+00  }
0x19: {  	vm5 =	vgt.f32 v17, $0.0e+00;
	vm2 =	vlt.f32 v11, $0.0e+00;
	vm13 =	vgt.f32 v11, $0.0e+00  }
0x1a: {  	vm6 =	vlt.f32 v10, $0.0e+00;
	vm15 =	vgt.f32 v27, $0.0e+00;
	vm12 =	vlt.f32 v28, $0.0e+00  }
0x1b: {  	vm9 =	vlt.f32 v56, $0.0e+00;
	vm11 =	vlt.f32 v31, $0.0e+00;
	vm1 =	vmor vm3, vm1  }
0x1c: {  	vm3 =	vgt.u32 v7, $0x63;
	vm2 =	vmor vm13, vm2;
	vm13 =	vlt.u32 v9, $0x3E8  }
0x1d: {  	vm0 =	vmand vm0, vm1;
	vm1 =	vmor vm5, vm4;
	vm2 =	vmand vm14, vm2  }
0x1e: {  	vm4 =	vlt.u32 v13, $0x3E8;
	vm5 =	vlt.u32 v15, $0x3E8;
	vm14 =	vlt.u32 v14, $0x9  }
0x1f: {  	v8 =	vsel vm3, $0x1, v1;
	vm3 =	vne.s32 v55, $0x0;
	v20 =	vnsel vm0, $0xFFFFFFFF, v2  }
0x20: {  	v14 =	vsel vm14, $0x2, v1;
	vm1 =	vmand vm13, vm1;
	vm13 =	vlt.u32 v55, $0x9  }
0x21: {  	vm14 =	vlt.u32 v22, $0x9;
	v32 =	vsel vm3, $0x1, v1;
	vm3 =	vlt.f32 v27, $0.0e+00  }
0x22: {  	v35 =	vnsel vm0, $0xBF800000, v2;
	v36 =	vnsel vm0, $0x20000000, v18;
	vm0 =	vmor vm10, vm0  }
0x23: {  	v2 =	vmul.u32 $0xA, v58;
	v58 =	vor.u32 v30, v29;
	v33 =	vsel vm13, $0x2, v1  }
0x24: {  	v34 =	vsel vm14, $0x2, v1;
	vm3 =	vmor vm15, vm3;
	vm13 =	vgt.f32 v10, $0.0e+00  }
0x25: {  	s30 =	simm.s32 $0x8E0;
	vm14 =	vlt.u32 v7, $0x3E8;
	vm15 =	vgt.f32 v31, $0.0e+00;
	v48 =	vnsel vm1, $0xBF800000, v17  }
0x26: {  	[tilespmem:s30+$0xFFFFFF90] =	vst v35;
	v35 =	vshrl.u32 v46, $0x3;
	v60 =	vnsel vm1, $0x20000000, v47;
	v47 =	vadd.s32 v7, v61  }
0x27: {  	v17 =	vnsel vm1, $0xFFFFFFFF, v17;
	vm6 =	vmor vm13, vm6;
	vm5 =	vmand vm5, vm3  }
0x28: {  	vm3 =	vgt.f32 v28, $0.0e+00;
	vm13 =	vlt.u32 v3, $0x3E8;
	v2 =	vsub.s32 v19, v2  }
0x29: {  	s31 =	simm.s32 $0xDE0;
	v19 =	vmul.u32 $0xFFFFFFF6, v19;
	v54 =	vor.u32 v32, v33;
	v21 =	vor.u32 v21, v34  }
0x2a: {  	[tilespmem:s31+$0xFFFFFF90] =	vst v36;
	v36 =	vmulhi.u32 $0x1999999A, v35;
	vm8 =	vmor vm3, vm12;
	vm3 =	vmand vm14, vm6  }
0x2b: {  	vm6 =	vmor vm15, vm11;
	vm12 =	vgt.f32 v56, $0.0e+00;
	vm14 =	vlt.u32 v4, $0x3E8  }
0x2c: {  	vm15 =	vne.s32 v2, $0x0;
	v50 =	vnsel vm5, $0xBF800000, v27;
	v25 =	vnsel vm5, $0x20000000, v63  }
0x2d: {  	v27 =	vnsel vm5, $0xFFFFFFFF, v27;
	vm4 =	vmand vm4, vm8;
	vm7 =	vmor vm12, vm9  }
0x2e: {  	vm0 =	vmor vm0, vm3;
	vm6 =	vmand vm13, vm6;
	v37 =	vsel vm15, $0x1, v1  }
0x2f: {  	vm12 =	vlt.u32 v2, $0x9;
	v2 =	vadd.s32 v16, v19;
	v55 =	vnsel vm3, $0xBF800000, v10  }
0x30: {  	[tilespmem:s30+$0x0] =	vst v48;
	v10 =	vnsel vm3, $0xFFFFFFFF, v10;
	vm0 =	vmor vm0, vm5;
	vm7 =	vmand vm14, vm7  }
0x31: {  	s10 =	simm.s32 $0x2640;
	[tilespmem:s31+$0x0] =	vst v60;
	v38 =	vsel vm12, $0x2, v1;
	v22 =	vnsel vm6, $0xBF800000, v31;
	v19 =	vnsel vm6, $0x20000000, v59  }
0x32: {  	[tilespmem:s10+$0x30] =	vst v17;
	v18 =	vnsel vm6, $0xFFFFFFFF, v31;
	vm13 =	vne.s32 v2, $0x0;
	vm14 =	vlt.u32 v2, $0x9  }
0x33: {  	[tilespmem:s30+$0xFFFFFFB0] =	vst v50;
	v2 =	vshll.u32 v13, $0x1;
	v40 =	vnsel vm4, $0xBF800000, v28;
	v28 =	vnsel vm4, $0xFFFFFFFF, v28  }
0x34: {  	[tilespmem:s30+$0xFFFFFFA0] =	vst v55;
	v55 =	vmul.u32 $0xFFFFFFF6, v52;
	vm0 =	vmor vm0, vm4;
	v31 =	vsel vm13, $0x1, v1  }
0x35: {  	[tilespmem:s31+$0xFFFFFFB0] =	vst v25;
	v39 =	vsel vm14, $0x2, v1;
	v41 =	vnsel vm4, $0x20000000, v2;
	v2 =	vshll.u32 v4, $0x1  }
0x36: {  	v42 =	vnsel vm7, $0xBF800000, v56;
	v26 =	vnsel vm7, $0xFFFFFFFF, v56;
	[tilespmem:s30+$0xFFFFFFC0] =	vst v40;
	v60 =	vor.u32 v37, v38  }
0x37: {  	v38 =	vmul.u32 $0xFFFFFFF6, v35;
	[tilespmem:s10+$0xFFFFFFE0] =	vst v27;
	vm0 =	vmor vm0, vm6;
	v43 =	vnsel vm7, $0x20000000, v2  }
0x38: {  	v2 =	vimm.s32 $0x1;
	[tilespmem:s31+$0xFFFFFFC0] =	vst v41;
	v62 =	vor.u32 v31, v39;
	v41 =	vnsel vm2, $0xBF800000, v11  }
0x39: {  	[tilespmem:s30+$0xFFFFFFF0] =	vst v42;
	v42 =	vnsel vm2, $0x20000000, v45;
	v11 =	vnsel vm2, $0xFFFFFFFF, v11;
	vm0 =	vmor vm0, vm2  }
0x3a: {  	[tilespmem:s31+$0xFFFFFFF0] =	vst v43;
	v43 =	vsub.s32 v44, v51;
	vm15 =	vmor vm0, vm7;
	vm0 =	vne.s32 v47, $0x0  }
0x3b: {  	s5 =	simm.s32 $0x2A40;
	[tilespmem:s10+$0xFFFFFFF0] =	vst v28;
	v28 =	vmul.u32 $0xA, v36;
	v40 =	vsel vm0, $0x1, v1;
	vm0 =	vlt.u32 v47, $0x9  }
0x3c: {  	s6 =	simm.s32 $0x2E40;
	[tilespmem:s5+$0xFFFFFFE0] =	vst v58;
	v44 =	vsel vm0, $0x2, v1;
	vm0 =	vlt.u32 v7, $0x384;
	v7 =	vshll.u32 v7, $0x1  }
0x3d: {  	[tilespmem:s6+$0xFFFFFFE0] =	vst v54;
	v17 =	vsel vm0, $0x2, v1;
	vm0 =	vne.s32 v43, $0x0;
	v54 =	vor.u32 v40, v44  }
0x3e: {  	v7 =	vnsel vm3, $0x20000000, v7;
	v32 =	vsel vm0, $0x1, v1;
	vm0 =	vlt.u32 v43, $0x9  }
0x3f: {  	[tilespmem:s10+$0xFFFFFFC0] =	vst v20;
	v43 =	vsub.s32 v35, v28;
	v56 =	vsel vm0, $0x2, v1;
	vm0 =	vgt.u32 v16, $0x63  }
0x40: {  	[tilespmem:s30+$0xFFFFFFD0] =	vst v22;
	v57 =	vsel vm0, $0x1, v1;
	vm0 =	vlt.u32 v16, $0x384;
	v25 =	vor.u32 v32, v56  }
0x41: {  	[tilespmem:s5+$0xFFFFFFC0] =	vst v62;
	v56 =	vmulhi.u32 $0xCCCCCCCD, v3;
	v59 =	vsel vm0, $0x2, v1;
	vm0 =	vgt.u32 v15, $0x63  }
0x42: {  	[tilespmem:s30+$0xFFFFFFE0] =	vst v41;
	v61 =	vsel vm0, $0x1, v1;
	vm0 =	vlt.u32 v15, $0x384;
	v63 =	vor.u32 v57, v59  }
0x43: {  	s7 =	simm.s32 $0x3240;
	[tilespmem:s6+$0xFFFFFFC0] =	vst v60;
	v57 =	vmul.u32 $0xA, v53;
	v16 =	vshrl.u32 v56, $0x3;
	v33 =	vsel vm0, $0x2, v1  }
0x44: {  	vm0 =	vgt.u32 v13, $0x63;
	[tilespmem:s7+$0xFFFFFFC0] =	vst v63;
	v63 =	vor.u32 v8, v17;
	v34 =	vor.u32 v61, v33  }
0x45: {  	[tilespmem:s31+$0xFFFFFFA0] =	vst v7;
	v37 =	vsel vm0, $0x1, v1;
	vm0 =	vlt.u32 v13, $0x384;
	v13 =	vadd.s32 v9, v38  }
0x46: {  	[tilespmem:s10+$0xFFFFFFD0] =	vst v10;
	v10 =	vsub.s32 v52, v57;
	v39 =	vsel vm0, $0x2, v1;
	vm0 =	vne.s32 v13, $0x0  }
0x47: {  	[tilespmem:s5+$0xFFFFFFF0] =	vst v21;
	v61 =	vmul.u32 $0xFFFFFFF6, v16;
	vm2 =	vlt.u32 v13, $0x9;
	v45 =	vsel vm0, $0x1, v1  }
0x48: {  	[tilespmem:s31+$0xFFFFFFE0] =	vst v42;
	v46 =	vsel vm2, $0x2, v1;
	vm0 =	vne.s32 v43, $0x0;
	vm2 =	vlt.u32 v43, $0x9  }
0x49: {  	[tilespmem:s6+$0xFFFFFFF0] =	vst v24;
	v15 =	vor.u32 v37, v39;
	v48 =	vsel vm0, $0x1, v1;
	vm0 =	vne.s32 v23, $0x0  }
0x4a: {  	[tilespmem:s10+$0x10] =	vst v11;
	v49 =	vsel vm2, $0x2, v1;
	vm2 =	vlt.u32 v3, $0x384;
	v11 =	vor.u32 v45, v46  }
0x4b: {  	[tilespmem:s7+$0xFFFFFFF0] =	vst v15;
	v15 =	vadd.s32 v4, v55;
	v50 =	vsel vm0, $0x1, v1;
	vm0 =	vlt.u32 v23, $0x9  }
0x4c: {  	[tilespmem:s31+$0xFFFFFFD0] =	vst v19;
	v13 =	vor.u32 v48, v49;
	v23 =	vsel vm0, $0x2, v1;
	vm0 =	vlt.u32 v9, $0x384  }
0x4d: {  	[tilespmem:s10+$0x0] =	vst v18;
	v9 =	vsel vm2, $0x2, v1;
	vm2 =	vmor vm15, vm1;
	v51 =	vsel vm0, $0x3, v2  }
0x4e: {  	[tilespmem:s10+$0x20] =	vst v26;
	vm0 =	vgt.u32 v5, $0x63;
	v5 =	vor.u32 v12, v14;
	v60 =	vor.u32 v50, v23  }
0x4f: {  	[tilespmem:s5+$0xFFFFFFD0] =	vst v54;
	v12 =	vadd.s32 v3, v61;
	v58 =	vsel vm0, $0x1, v1;
	vm0 =	vgt.u32 v4, $0x63  }
0x50: {  	[tilespmem:s5+$0x10] =	vst v5;
	v5 =	vmulhi.u32 $0x1999999A, v16;
	vm1 =	vne.s32 v12, $0x0;
	v59 =	vsel vm0, $0x1, v1  }
0x51: {  	[tilespmem:s5+$0x30] =	vst v11;
	vm0 =	vne.s32 v15, $0x0;
	v14 =	vor.u32 v58, v6;
	v11 =	vsel vm1, $0x1, v1  }
0x52: {  	[tilespmem:s6+$0xFFFFFFD0] =	vst v25;
	v7 =	vsel vm0, $0x1, v1;
	vm0 =	vlt.u32 v15, $0x9;
	v5 =	vmul.u32 $0xA, v5  }
0x53: {  	[tilespmem:s7+$0xFFFFFFD0] =	vst v63;
	vm1 =	vlt.u32 v4, $0x384;
	v15 =	vsel vm0, $0x2, v1;
	vm0 =	vne.s32 v10, $0x0  }
0x54: {  	[tilespmem:s7+$0xFFFFFFE0] =	vst v34;
	v5 =	vsub.s32 v16, v5;
	v6 =	vsel vm0, $0x1, v1;
	vm0 =	vlt.u32 v12, $0x9  }
0x55: {  	s11 =	simm.s32 $0x960;
	[tilespmem:s6+$0x30] =	vst v13;
	v62 =	vsel vm1, $0x2, v1;
	v12 =	vsel vm0, $0x2, v1;
	vm0 =	vlt.u32 v5, $0x9  }
0x56: {  	s12 =	simm.s32 $0x26C0;
	s13 =	simm.s32 $0x2AC0;
	s14 =	simm.s32 $0xC0;
	[tilespmem:s7+$0x30] =	vst v51;
	vm1 =	vlt.u32 v10, $0x9;
	v4 =	vsel vm0, $0x2, v1;
	vm0 =	vne.s32 v5, $0x0  }
0x57: {  	s15 =	simm.s32 $0xE60;
	s16 =	simm.s32 $0xC0;
	s4 =	sadd.s32 $0x400, s4;
	[tilespmem:s6+$0x10] =	vst v60;
	v7 =	vor.u32 v7, v15;
	v5 =	vsel vm0, $0x1, v1;
	vm0 =	vgt.u32 v3, $0x63  }
0x58: {  	s9 =	simm.s32 $0x2EC0;
	s8 =	simm.s32 $0x0;
	s10 =	simm.s32 $0x32C0;
	[tilespmem:s7+$0x10] =	vst v14;
	v8 =	vor.u32 v11, v12;
	v11 =	vor.u32 v59, v62;
	v3 =	vsel vm0, $0x1, v1  }
.LBB2_1:
0x59: {  	s17 =	sadd.s32 $0xFFFFFFC0, s14;
	s18 =	sadd.s32 $0xFFFFFFD0, s14;
	v4 =	vor.u32 v5, v4;
	v13 =	vor.u32 v3, v9;
	v3 =	vsel vm1, $0x2, v1  }
0x5a: {  	s19 =	sadd.s32 $0xFFFFFFE0, s14;
	[tilespmem:s5+$0x0] =	vst v8;
	s29 =	sadd.s32 $0xFFFFFFF0, s14;
	s20 =	sadd.s32 $0x30, s14;
	v29 =	vimm.s32 $0x0;
	v12 =	vor.u32 s17, v0;
	v15 =	vor.u32 s18, v0  }
0x5b: {  	s30 =	sadd.s32 $0x10, s14;
	[tilespmem:s5+$0x20] =	vst v7;
	v9 =	vor.u32 s19, v0;
	v8 =	vor.u32 s29, v0;
	v7 =	vor.u32 s20, v0  }
0x5c: {  	s31 =	sadd.s32 $0x20, s14;
	[tilespmem:s6+$0x0] =	vst v4;
	v5 =	vor.u32 s30, v0;
	v4 =	vor.u32 v6, v3;
	v48 =	vmulhi.u32 $0xCCCCCCCD, v7  }
0x5d: {  	v3 =	vor.u32 s31, v0;
	v6 =	vimm.s32 $0x0;
	v16 =	vmulhi.u32 $0xCCCCCCCD, v9  }
0x5e: {  	vm3 =	vlt.u32 v5, $0x384;
	vm0 =	vlt.u32 v12, $0x3E8;
	v18 =	vmulhi.u32 $0xCCCCCCCD, v8  }
0x5f: {  	[tilespmem:s6+$0x20] =	vst v4;
	v4 =	vor.u32 s14, v0;
	v10 =	vshll.u32 v5, $0x1;
	v50 =	vmulhi.u32 $0xCCCCCCCD, v3  }
0x60: {  	v17 =	vshll.u32 v12, $0x1;
	v19 =	vmulhi.u32 $0xCCCCCCCD, v15;
	vm14 =	vlt.u32 v5, $0x3E8  }
0x61: {  	vm9 =	vlt.u32 v8, $0x3E8;
	vm11 =	vlt.u32 v15, $0x3E8;
	v33 =	vshll.u32 v7, $0x1  }
0x62: {  	v14 =	vld [tilespmem:s16+$0xFFFFFFC0];
	v53 =	vmulhi.u32 $0xCCCCCCCD, v5;
	v37 =	vshll.u32 v9, $0x1;
	v61 =	vshll.u32 v8, $0x1  }
0x63: {  	v26 =	vld [tilespmem:s16+$0x30];
	v62 =	vshll.u32 v3, $0x1;
	vm1 =	vlt.u32 v4, $0x384;
	v23 =	vshll.u32 v4, $0x1  }
0x64: {  	v22 =	vld [tilespmem:s16+$0xFFFFFFD0];
	v6 =	vsel vm1, $0xFFFFFFFF, v6;
	vm1 =	vgt.u32 v15, $0x63;
	v30 =	vshrl.u32 v16, $0x3  }
0x65: {  	[tilespmem:s7+$0x0] =	vst v13;
	v13 =	vshrl.u32 v48, $0x3;
	v49 =	vshrl.u32 v18, $0x3;
	v34 =	vshrl.u32 v19, $0x3  }
0x66: {  	v16 =	vshll.u32 v15, $0x1;
	v56 =	vshrl.u32 v53, $0x3;
	v53 =	vmulhi.u32 $0xCCCCCCCD, v12  }
0x67: {  	vm4 =	vlt.f32 v14, $0.0e+00;
	vm5 =	vgt.f32 v14, $0.0e+00;
	[tilespmem:$0x1FFF0] =	vst v6;
	v6 =	vimm.s32 $0x0  }
0x68: {  	vm6 =	vlt.f32 v26, $0.0e+00;
	vm7 =	vgt.f32 v26, $0.0e+00;
	v27 =	vmulhi.u32 $0x1999999A, v49  }
0x69: {  	v20 =	vmul.u32 $0xFFFFFFF6, v49;
	vm15 =	vlt.f32 v22, $0.0e+00;
	v36 =	vmulhi.u32 $0x1999999A, v34  }
0x6a: {  	v57 =	vmul.u32 $0xFFFFFFF6, v30;
	v58 =	vmul.u32 $0xFFFFFFF6, v56;
	v38 =	vmulhi.u32 $0x1999999A, v56  }
0x6b: {  	[tilespmem:s7+$0x20] =	vst v11;
	v11 =	vld [tilespmem:s16+$0x10];
	v40 =	vmulhi.u32 $0x1999999A, v30;
	vm5 =	vmor vm5, vm4;
	v6 =	vsel vm1, $0xFFFFFFFF, v6  }
0x6c: {  	v28 =	vld [tilespmem:s16+$0x0];
	vm4 =	vmor vm7, vm6;
	vm6 =	vlt.u32 v4, $0x3E8;
	vm1 =	vlt.u32 v7, $0x3E8  }
0x6d: {  	[tilespmem:$0x1FFD0] =	vst v6;
	vm5 =	vmand vm0, vm5;
	v6 =	vsel vm3, $0x2, v1;
	vm0 =	vlt.u32 v3, $0x3E8  }
0x6e: {  	v21 =	vld [tilespmem:s16+$0xFFFFFFF0];
	v31 =	vadd.s32 v8, v20;
	v51 =	vmul.u32 $0xA, v27;
	v39 =	vadd.s32 v9, v57  }
0x6f: {  	v24 =	vld [tilespmem:s16+$0x20];
	v59 =	vadd.s32 v5, v58;
	v60 =	vmul.u32 $0xA, v38;
	v40 =	vmul.u32 $0xA, v40  }
0x70: {  	v48 =	vmul.u32 $0xA, v36;
	vm3 =	vlt.f32 v11, $0.0e+00;
	vm13 =	vgt.f32 v11, $0.0e+00  }
0x71: {  	v25 =	vnsel vm5, $0xFFFFFFFF, v14;
	v29 =	vsel vm0, $0xFFFFFFFF, v29;
	vm10 =	vgt.f32 v28, $0.0e+00  }
0x72: {  	v32 =	vnsel vm5, $0xBF800000, v14;
	vm12 =	vmor vm2, vm5;
	vm2 =	vne.s32 v31, $0x0  }
0x73: {  	v14 =	vshrl.u32 v50, $0x3;
	v50 =	vmul.u32 $0xFFFFFFF6, v34;
	vm3 =	vmor vm13, vm3  }
0x74: {  	[tilespmem:$0x1FFE0] =	vst v29;
	vm8 =	vlt.f32 v24, $0.0e+00;
	vm13 =	vlt.f32 v21, $0.0e+00;
	v29 =	vnsel vm5, $0x20000000, v17  }
0x75: {  	v43 =	vld [tilespmem:s16+$0xFFFFFFE0];
	v52 =	vsub.s32 v49, v51;
	vm5 =	vlt.u32 v15, $0x384;
	v35 =	vsel vm2, $0x1, v1  }
0x76: {  	v20 =	vsub.s32 v56, v60;
	v19 =	vmulhi.u32 $0x1999999A, v14;
	v30 =	vsub.s32 v30, v40  }
0x77: {  	vm7 =	vmand vm14, vm3;
	vm14 =	vlt.u32 v9, $0x3E8;
	vm2 =	vne.s32 v52, $0x0  }
0x78: {  	vm0 =	vlt.u32 v52, $0x9;
	vm3 =	vne.s32 v39, $0x0;
	v15 =	vadd.s32 v15, v50  }
0x79: {  	v54 =	vsel vm2, $0x1, v1;
	v55 =	vsel vm0, $0x2, v1;
	vm2 =	vne.s32 v59, $0x0  }
0x7a: {  	v51 =	vld [tilespmem:$0x1FFD0];
	vm0 =	vlt.u32 v59, $0x9;
	v44 =	vsel vm3, $0x1, v1;
	vm3 =	vgt.f32 v43, $0.0e+00  }
0x7b: {  	v10 =	vnsel vm7, $0x20000000, v10;
	v27 =	vor.u32 v54, v55;
	v17 =	vsel vm2, $0x1, v1  }
0x7c: {  	v18 =	vsel vm0, $0x2, v1;
	vm2 =	vmand vm1, vm4;
	vm0 =	vlt.u32 v39, $0x9  }
0x7d: {  	v41 =	vnsel vm2, $0xBF800000, v26;
	v42 =	vsel vm0, $0x2, v1;
	vm0 =	vlt.u32 v31, $0x9  }
0x7e: {  	v63 =	vnsel vm2, $0x20000000, v33;
	v49 =	vnsel vm2, $0xFFFFFFFF, v26;
	v33 =	vsub.s32 v34, v48  }
0x7f: {  	v34 =	vshrl.u32 v53, $0x3;
	v48 =	vsel vm5, $0x2, v1;
	vm1 =	vnez.u8 v51  }
0x80: {  	v56 =	vld [tilespmem:$0x1FFE0];
	v46 =	vsel vm0, $0x2, v1;
	vm0 =	vgt.f32 v22, $0.0e+00;
	v54 =	vmulhi.u32 $0x1999999A, v34  }
0x81: {  	v42 =	vor.u32 v44, v42;
	v45 =	vsel vm1, $0x1, v1;
	vm1 =	vne.s32 v30, $0x0  }
0x82: {  	v35 =	vor.u32 v35, v46;
	vm15 =	vmor vm0, vm15;
	v52 =	vsel vm1, $0x1, v1  }
0x83: {  	vm1 =	vlt.u32 v30, $0x9;
	v26 =	vmul.u32 $0xA, v54;
	vm4 =	vmand vm11, vm15  }
0x84: {  	v51 =	vor.u32 v45, v48;
	v30 =	vsel vm1, $0x2, v1;
	vm1 =	vlt.f32 v43, $0.0e+00  }
0x85: {  	vm11 =	vmor vm12, vm4;
	vm12 =	vnez.u8 v56;
	v56 =	vmulhi.u32 $0x1999999A, v13  }
0x86: {  	v30 =	vor.u32 v52, v30;
	vm0 =	vmor vm3, vm1;
	vm1 =	vgt.f32 v21, $0.0e+00  }
0x87: {  	vm3 =	vlt.f32 v28, $0.0e+00;
	v55 =	vsub.s32 v34, v26;
	v26 =	vnsel vm4, $0xFFFFFFFF, v22  }
0x88: {  	v22 =	vnsel vm4, $0xBF800000, v22;
	vm0 =	vmand vm14, vm0;
	vm1 =	vmor vm1, vm13  }
0x89: {  	[tilespmem:s11+$0xFFFFFF90] =	vst v32;
	vm3 =	vmor vm10, vm3;
	vm14 =	vlt.u32 v55, $0x9;
	vm13 =	vne.s32 v55, $0x0  }
0x8a: {  	[tilespmem:s15+$0xFFFFFF90] =	vst v29;
	vm10 =	vne.s32 v20, $0x0;
	vm9 =	vmand vm9, vm1;
	vm1 =	vgt.f32 v24, $0.0e+00  }
0x8b: {  	[tilespmem:s11+$0x0] =	vst v41;
	vm15 =	vmor vm11, vm0;
	vm3 =	vmand vm6, vm3;
	v59 =	vsel vm13, $0x1, v1  }
0x8c: {  	[tilespmem:s15+$0x0] =	vst v63;
	v60 =	vsel vm14, $0x2, v1;
	v63 =	vnsel vm0, $0xBF800000, v43;
	v37 =	vnsel vm0, $0x20000000, v37  }
0x8d: {  	[tilespmem:s12+$0xFFFFFFC0] =	vst v25;
	v43 =	vnsel vm0, $0xFFFFFFFF, v43;
	vm0 =	vne.s32 v15, $0x0;
	vm1 =	vmor vm1, vm8  }
0x8e: {  	[tilespmem:s12+$0x30] =	vst v49;
	v58 =	vnsel vm9, $0xBF800000, v21;
	v38 =	vnsel vm9, $0x20000000, v61;
	v61 =	vnsel vm3, $0xBF800000, v28  }
0x8f: {  	[tilespmem:s11+$0xFFFFFFA0] =	vst v22;
	v31 =	vor.u32 v59, v60;
	v23 =	vnsel vm3, $0x20000000, v23;
	v28 =	vnsel vm3, $0xFFFFFFFF, v28  }
0x90: {  	v21 =	vnsel vm9, $0xFFFFFFFF, v21;
	[tilespmem:s11+$0xFFFFFFB0] =	vst v63;
	v44 =	vsel vm0, $0x1, v1;
	vm0 =	vgt.u32 v12, $0x63  }
0x91: {  	v60 =	vmul.u32 $0xA, v19;
	vm6 =	vmand vm12, vm1;
	vm1 =	vmor vm15, vm9;
	[tilespmem:s11+$0xFFFFFFC0] =	vst v58  }
0x92: {  	[tilespmem:s15+$0xFFFFFFB0] =	vst v37;
	vm15 =	vlt.u32 v33, $0x9;
	v52 =	vsel vm0, $0x1, v1;
	vm0 =	vlt.u32 v12, $0x384  }
0x93: {  	[tilespmem:s11+$0xFFFFFFD0] =	vst v61;
	v61 =	vmulhi.u32 $0xCCCCCCCD, v4;
	v57 =	vnsel vm6, $0xBF800000, v24;
	v39 =	vnsel vm6, $0x20000000, v62  }
0x94: {  	v62 =	vmul.u32 $0xFFFFFFF6, v34;
	v24 =	vnsel vm6, $0xFFFFFFFF, v24;
	vm1 =	vmor vm1, vm3;
	[tilespmem:s15+$0xFFFFFFC0] =	vst v38  }
0x95: {  	[tilespmem:s11+$0xFFFFFFF0] =	vst v57;
	vm1 =	vmor vm1, vm7;
	v57 =	vnsel vm7, $0xBF800000, v11;
	v11 =	vnsel vm7, $0xFFFFFFFF, v11  }
0x96: {  	[tilespmem:s12+$0xFFFFFFE0] =	vst v43;
	v32 =	vadd.s32 v12, v62;
	vm6 =	vmor vm1, vm6;
	vm1 =	vne.s32 v33, $0x0  }
0x97: {  	[tilespmem:s12+$0xFFFFFFF0] =	vst v21;
	v33 =	vsel vm15, $0x2, v1;
	v12 =	vsel vm0, $0x2, v1;
	vm0 =	vlt.u32 v9, $0x384  }
0x98: {  	[tilespmem:s15+$0xFFFFFFF0] =	vst v39;
	vm3 =	vne.s32 v32, $0x0;
	vm14 =	vlt.u32 v32, $0x9;
	v49 =	vsel vm1, $0x1, v1  }
0x99: {  	[tilespmem:s11+$0xFFFFFFE0] =	vst v57;
	vm1 =	vgt.u32 v9, $0x63;
	v39 =	vsel vm3, $0x1, v1;
	v41 =	vsel vm14, $0x2, v1  }
0x9a: {  	v9 =	vor.u32 v52, v12;
	v54 =	vsel vm0, $0x2, v1;
	[tilespmem:s15+$0xFFFFFFE0] =	vst v10;
	v25 =	vor.u32 v39, v41  }
0x9b: {  	vm0 =	vgt.u32 v8, $0x63;
	v10 =	vsel vm10, $0x1, v1;
	vm2 =	vmor vm6, vm2;
	[tilespmem:s13+$0xFFFFFFC0] =	vst v25  }
0x9c: {  	vm3 =	vlt.u32 v15, $0x9;
	v50 =	vor.u32 v49, v33;
	v53 =	vsel vm1, $0x1, v1;
	[tilespmem:s9+$0xFFFFFFC0] =	vst v31  }
0x9d: {  	v55 =	vsel vm0, $0x1, v1;
	vm0 =	vlt.u32 v8, $0x384;
	[tilespmem:s10+$0xFFFFFFC0] =	vst v9;
	v9 =	vmul.u32 $0xFFFFFFF6, v13  }
0x9e: {  	[tilespmem:s13+$0xFFFFFFE0] =	vst v42;
	v47 =	vsel vm3, $0x2, v1;
	v12 =	vor.u32 v53, v54;
	v8 =	vsel vm0, $0x2, v1  }
0x9f: {  	[tilespmem:s13+$0xFFFFFFF0] =	vst v35;
	vm0 =	vlt.u32 v7, $0x384;
	v7 =	vadd.s32 v7, v9;
	v9 =	vmul.u32 $0xA, v56  }
0xa0: {  	[tilespmem:s9+$0xFFFFFFE0] =	vst v30;
	v8 =	vor.u32 v55, v8;
	vm1 =	vne.s32 v7, $0x0;
	vm3 =	vlt.u32 v7, $0x9  }
0xa1: {  	[tilespmem:s9+$0xFFFFFFF0] =	vst v27;
	v7 =	vsub.s32 v13, v9;
	v9 =	vsel vm1, $0x1, v1;
	v58 =	vsel vm3, $0x2, v1  }
0xa2: {  	[tilespmem:s10+$0xFFFFFFE0] =	vst v12;
	v12 =	vor.u32 v9, v58;
	vm1 =	vne.s32 v7, $0x0;
	vm3 =	vlt.u32 v7, $0x9  }
0xa3: {  	[tilespmem:s12+$0x10] =	vst v11;
	v7 =	vsel vm1, $0x1, v1;
	v9 =	vsel vm3, $0x2, v1;
	vm1 =	vlt.u32 v20, $0x9  }
0xa4: {  	v22 =	vor.u32 v44, v47;
	[tilespmem:s10+$0xFFFFFFF0] =	vst v8;
	v11 =	vor.u32 v7, v9;
	v8 =	vsel vm1, $0x2, v1;
	v9 =	vld [tilespmem:$0x1FFF0]  }
0xa5: {  	[tilespmem:s15+$0xFFFFFFD0] =	vst v23;
	v59 =	vsel vm0, $0x3, v2;
	v8 =	vor.u32 v10, v8;
	v10 =	vmul.u32 $0xFFFFFFF6, v14  }
0xa6: {  	[tilespmem:s12+$0x0] =	vst v28;
	vm0 =	vgt.u32 v4, $0x63;
	vm3 =	vgt.u32 v5, $0x63;
	v7 =	vor.u32 v17, v18  }
0xa7: {  	[tilespmem:s13+$0x10] =	vst v7;
	v7 =	vsel vm3, $0x1, v1;
	v14 =	vsub.s32 v14, v60;
	v5 =	vadd.s32 v3, v10  }
0xa8: {  	[tilespmem:s9+$0x10] =	vst v8;
	v8 =	vor.u32 v7, v6;
	v10 =	vnsel vm4, $0x20000000, v16;
	vm3 =	vne.s32 v5, $0x0  }
0xa9: {  	[tilespmem:s15+$0xFFFFFFA0] =	vst v10;
	v10 =	vshrl.u32 v61, $0x3;
	vm11 =	vlt.u32 v5, $0x9;
	vm1 =	vnez.u8 v9  }
0xaa: {  	[tilespmem:s12+$0x20] =	vst v24;
	v5 =	vmulhi.u32 $0x1999999A, v10;
	v63 =	vsel vm3, $0x1, v1;
	v18 =	vmul.u32 $0xFFFFFFF6, v10  }
0xab: {  	[tilespmem:s13+$0x30] =	vst v12;
	v6 =	vsel vm11, $0x2, v1;
	v9 =	vsel vm1, $0x2, v1;
	vm1 =	vgt.u32 v3, $0x63  }
0xac: {  	s8 =	sadd.s32 $0x8, s8;
	s7 =	smov.u32 s10;
	[tilespmem:s9+$0x30] =	vst v11;
	vm3 =	vlt.u32 v3, $0x384;
	v7 =	vor.u32 v63, v6;
	v62 =	vsel vm1, $0x1, v1  }
0xad: {  	p0 =	slt.u32 s8, $0x38;
	[tilespmem:s7+$0x30] =	vst v59;
	v5 =	vmul.u32 $0xA, v5;
	v4 =	vadd.s32 v4, v18;
	vm1 =	vne.s32 v14, $0x0  }
.Ltmp0:
0xae: {  	[tilespmem:s7+$0x10] =	vst v8;
	vm12 =	vne.s32 v4, $0x0;
	v6 =	vsel vm1, $0x1, v1;
	vm13 =	vlt.u32 v4, $0x9;
	(pc) =	sbr.rel @p0 .LBB2_1-.Ltmp0, $4  }
0xaf: {  	s5 =	smov.u32 s13;
	[tilespmem:s12+$0xFFFFFFD0] =	vst v26;
	vm1 =	vlt.u32 v14, $0x9;
	v3 =	vsub.s32 v10, v5;
	v5 =	vsel vm12, $0x1, v1  }
0xb0: {  	s6 =	smov.u32 s9;
	s14 =	sadd.s32 $0x80, s14;
	s16 =	sadd.s32 $0x80, s16;
	[tilespmem:s13+$0xFFFFFFD0] =	vst v22;
	v4 =	vsel vm13, $0x2, v1;
	v10 =	vsel vm3, $0x2, v1;
	vm14 =	vne.s32 v3, $0x0  }
0xb1: {  	s11 =	sadd.s32 $0x80, s11;
	s10 =	sadd.s32 $0x80, s10;
	s15 =	sadd.s32 $0x80, s15;
	[tilespmem:s9+$0xFFFFFFD0] =	vst v50;
	vm15 =	vlt.u32 v3, $0x9;
	v8 =	vor.u32 v5, v4;
	v3 =	vsel vm0, $0x1, v1  }
0xb2: {  	s12 =	sadd.s32 $0x80, s12;
	s13 =	sadd.s32 $0x80, s13;
	s9 =	sadd.s32 $0x80, s9;
	[tilespmem:s7+$0xFFFFFFD0] =	vst v51;
	v11 =	vor.u32 v62, v10;
	v4 =	vsel vm15, $0x2, v1;
	v5 =	vsel vm14, $0x1, v1  }
0xb3: {  	v0 =	vimm.f32 $0.0e+00  }
0xb4: {  	v2 =	vsel vm2, $0x3F800000, v0  }
0xb5: {  	(xrf0) =	vmax.scan.msk.f32 $0xffff, v2;
	_ =	sdelay $0x5  }
0xb6: {  	v2, _, _ =	vpop (xrf0)  }
0xb7: {  	(v2sf) =	vpush v2, $0xF;
	_ =	sdelay $0xe  }
0xb8: {  	s31 =	spop (v2sf)  }
0xb9: {  	[tilespmem:s5+$0x0] =	vst v8;
	v1 =	vsel vm1, $0x2, v1;
	p0 =	sgt.f32 s31, $0.0e+00  }
.Ltmp1:
0xba: {  	[tilespmem:s5+$0x20] =	vst v7;
	v1 =	vor.u32 v6, v1;
	(pc) =	sbr.rel @!p0 .LBB2_10-.Ltmp1, $4  }
0xbb: {  	[tilespmem:s6+$0x20] =	vst v1  }
0xbc: {  	[tilespmem:s7+$0x20] =	vst v11;
	v2 =	vor.u32 v5, v4  }
0xbd: {  	v1 =	vor.u32 v3, v9;
	[tilespmem:s6+$0x0] =	vst v2  }
0xbe: {  	[tilespmem:s7+$0x0] =	vst v1  }
0xbf: {  	s6 =	simm.s32 $0x0;
	v1 =	vimm.s32 $0x0  }
.LBB2_4:
0xc0: {  	s7 =	sshll.u32 s6, $0x4  }
0xc1: {  	v2 =	vld [tilespmem:s7+$0x2A00]  }
0xc2: {  	v3 =	vld [tilespmem:s7+$0x870]  }
0xc3: {  	v4 =	vld [tilespmem:s7+$0x86F]  }
0xc4: {  	v5 =	vld [tilespmem:s7+$0xD6F]  }
0xc5: {  	v6 =	vld [tilespmem:s7+$0xD70]  }
0xc6: {  	v7 =	vld [tilespmem:s7+$0x871]  }
0xc7: {  	v9 =	vld [tilespmem:s7+$0xD71]  }
0xc8: {  	v55 =	vld [tilespmem:s7+$0x2A10]  }
0xc9: {  	v60 =	vld [tilespmem:s7+$0x2A20]  }
0xca: {  	v24 =	vld [tilespmem:s7+$0x2A30]  }
0xcb: {  	v30 =	vld [tilespmem:s7+$0x2A40]  }
0xcc: {  	v43 =	vld [tilespmem:s7+$0x2A60]  }
0xcd: {  	v46 =	vld [tilespmem:s7+$0x2A70]  }
0xce: {  	v11 =	vld [tilespmem:s7+$0x87F]  }
0xcf: {  	v56 =	vld [tilespmem:s7+$0xD7F];
	v8 =	vand.u32 $0x1, v2  }
0xd0: {  	v61 =	vld [tilespmem:s7+$0x88F];
	v2 =	vand.u32 $0x2, v2;
	v13 =	vand.u32 $0x1, v55;
	v23 =	vand.u32 $0x1, v60  }
0xd1: {  	v15 =	vld [tilespmem:s7+$0xD8F];
	v29 =	vand.u32 $0x1, v24;
	v34 =	vand.u32 $0x1, v30;
	v48 =	vand.u32 $0x1, v43  }
0xd2: {  	v10 =	vld [tilespmem:s7+$0x880];
	v53 =	vand.u32 $0x1, v46;
	v54 =	vand.u32 $0x2, v43;
	vm0 =	veq.s32 v8, $0x0  }
0xd3: {  	v58 =	vld [tilespmem:s7+$0xD80];
	vm2 =	veq.s32 v2, $0x0;
	vm9 =	veq.s32 v13, $0x0;
	vm5 =	veq.s32 v23, $0x0  }
0xd4: {  	v13 =	vand.u32 $0x2, v60;
	v4 =	vsel vm0, $0xC0000000, v4;
	v5 =	vsel vm0, $0x20000000, v5  }
0xd5: {  	v14 =	vld [tilespmem:s7+$0x890];
	v2 =	vsel vm2, $0xC0000000, v7;
	v9 =	vsel vm2, $0x20000000, v9;
	v11 =	vsel vm9, $0xC0000000, v11  }
0xd6: {  	v21 =	vld [tilespmem:s7+$0x891];
	v7 =	vsel vm9, $0x20000000, v56;
	v8 =	vsel vm5, $0xC0000000, v61;
	v15 =	vsel vm5, $0x20000000, v15  }
0xd7: {  	v22 =	vld [tilespmem:s7+$0xD91];
	vm9 =	veq.s32 v13, $0x0;
	vm15 =	veq.f32 v3, v4;
	vm1 =	vlt.s32 v6, v5  }
0xd8: {  	v63 =	vld [tilespmem:s7+$0xD90];
	vm3 =	vgt.f32 v3, v4;
	vm10 =	veq.f32 v10, v11;
	vm11 =	vlt.s32 v58, v7  }
0xd9: {  	v17 =	vld [tilespmem:s7+$0xD9F];
	vm4 =	vgt.f32 v10, v11;
	vm0 =	vmand vm15, vm1;
	vm1 =	vmand vm10, vm11  }
0xda: {  	v26 =	vld [tilespmem:s7+$0xDA0];
	v61 =	vand.u32 $0x2, v46;
	vm0 =	vmor vm3, vm0;
	vm13 =	vmor vm4, vm1  }
0xdb: {  	v3 =	vsel vm0, v3, v4;
	v57 =	vsel vm0, v6, v5;
	v10 =	vsel vm13, v10, v11  }
0xdc: {  	v5 =	vsel vm13, v58, v7;
	v7 =	vsel vm9, $0xC0000000, v21;
	v11 =	vsel vm9, $0x20000000, v22  }
0xdd: {  	v59 =	vld [tilespmem:s7+$0x881];
	vm13 =	veq.s32 v29, $0x0;
	vm6 =	veq.f32 v3, v2;
	vm7 =	vlt.s32 v57, v9  }
0xde: {  	v21 =	vld [tilespmem:s7+$0x2A50];
	vm8 =	vgt.f32 v3, v2;
	v17 =	vsel vm13, $0x20000000, v17;
	vm0 =	vmand vm6, vm7  }
0xdf: {  	v12 =	vld [tilespmem:s7+$0xD81];
	vm6 =	veq.f32 v14, v8;
	vm7 =	vlt.s32 v63, v15;
	vm3 =	vlt.s32 v26, v17  }
0xe0: {  	vm0 =	vmor vm8, vm0;
	vm8 =	vgt.f32 v14, v8;
	vm1 =	vmand vm6, vm7  }
0xe1: {  	v2 =	vsel vm0, v3, v2;
	v3 =	vand.u32 $0x2, v55;
	vm1 =	vmor vm8, vm1  }
0xe2: {  	v27 =	vld [tilespmem:s7+$0x8A1];
	vm12 =	veq.s32 v3, $0x0;
	v3 =	vsel vm0, v57, v9;
	v8 =	vsel vm1, v14, v8  }
0xe3: {  	v32 =	vld [tilespmem:s7+$0x8B1];
	v6 =	vsel vm1, v63, v15;
	v15 =	vand.u32 $0x2, v30;
	v22 =	vand.u32 $0x1, v21  }
0xe4: {  	v28 =	vld [tilespmem:s7+$0xDA1];
	v21 =	vand.u32 $0x2, v21;
	v62 =	vsel vm12, $0xC0000000, v59;
	v20 =	vsel vm12, $0x20000000, v12  }
0xe5: {  	v25 =	vld [tilespmem:s7+$0x89F];
	vm10 =	vgt.f32 v8, v7;
	vm11 =	veq.f32 v8, v7;
	vm12 =	vlt.s32 v6, v11  }
0xe6: {  	v16 =	vld [tilespmem:s7+$0x8A0];
	v12 =	vand.u32 $0x2, v24;
	vm6 =	veq.s32 v15, $0x0;
	vm14 =	veq.f32 v10, v62  }
0xe7: {  	v18 =	vld [tilespmem:s7+$0x8B0];
	vm15 =	vlt.s32 v5, v20;
	vm4 =	vgt.f32 v10, v62;
	vm1 =	vmand vm11, vm12  }
0xe8: {  	v31 =	vld [tilespmem:s7+$0x8AF];
	v40 =	vsel vm6, $0xC0000000, v32;
	vm0 =	vmand vm14, vm15;
	vm15 =	veq.s32 v12, $0x0  }
0xe9: {  	v33 =	vld [tilespmem:s7+$0xDB1];
	vm0 =	vmor vm4, vm0;
	v13 =	vsel vm15, $0xC0000000, v27;
	v14 =	vsel vm15, $0x20000000, v28  }
0xea: {  	v19 =	vld [tilespmem:s7+$0xDB0];
	v4 =	vsel vm0, v10, v62;
	v5 =	vsel vm0, v5, v20;
	v10 =	vsel vm13, $0xC0000000, v25  }
0xeb: {  	vm0 =	vmor vm10, vm1;
	v20 =	vld [tilespmem:s7+$0xDAF];
	vm13 =	veq.s32 v34, $0x0;
	vm14 =	veq.f32 v16, v10  }
0xec: {  	v35 =	vld [tilespmem:s7+$0x8C0];
	vm7 =	vgt.f32 v16, v10;
	v7 =	vsel vm0, v8, v7;
	vm2 =	vmand vm14, vm3  }
0xed: {  	v37 =	vld [tilespmem:s7+$0x8BF];
	v6 =	vsel vm0, v6, v11;
	v12 =	vsel vm13, $0xC0000000, v31;
	vm8 =	vmor vm7, vm2  }
0xee: {  	v38 =	vld [tilespmem:s7+$0xDBF];
	v8 =	vsel vm6, $0x20000000, v33;
	vm14 =	veq.f32 v18, v12;
	v10 =	vsel vm8, v16, v10  }
0xef: {  	v39 =	vld [tilespmem:s7+$0xDC0];
	vm7 =	vgt.f32 v18, v12;
	v9 =	vsel vm8, v26, v17;
	vm9 =	veq.f32 v10, v13  }
0xf0: {  	v41 =	vld [tilespmem:s7+$0x8C1];
	vm10 =	vlt.s32 v9, v14;
	vm11 =	vgt.f32 v10, v13;
	v36 =	vsel vm13, $0x20000000, v20  }
0xf1: {  	v42 =	vld [tilespmem:s7+$0xDC1];
	vm1 =	vmand vm9, vm10;
	vm15 =	vlt.s32 v19, v36;
	vm10 =	veq.s32 v22, $0x0  }
0xf2: {  	v44 =	vld [tilespmem:s7+$0x8D0];
	vm12 =	vmor vm11, vm1;
	vm1 =	vmand vm14, vm15;
	v17 =	vsel vm10, $0xC0000000, v37  }
0xf3: {  	v23 =	vld [tilespmem:s7+$0x8CF];
	v20 =	vsel vm10, $0x20000000, v38;
	vm11 =	veq.s32 v21, $0x0;
	v10 =	vsel vm12, v10, v13  }
0xf4: {  	v24 =	vld [tilespmem:s7+$0xDCF];
	v9 =	vsel vm12, v9, v14;
	vm8 =	vmor vm7, vm1;
	vm12 =	veq.f32 v35, v17  }
0xf5: {  	v45 =	vld [tilespmem:s7+$0xDD0];
	vm13 =	vlt.s32 v39, v20;
	v16 =	vsel vm11, $0xC0000000, v41;
	vm14 =	vgt.f32 v35, v17  }
0xf6: {  	v25 =	vld [tilespmem:s7+$0x8DF];
	v12 =	vsel vm8, v18, v12;
	v13 =	vsel vm8, v19, v36;
	vm2 =	vmand vm12, vm13  }
0xf7: {  	v26 =	vld [tilespmem:s7+$0xDDF];
	v18 =	vsel vm11, $0x20000000, v42;
	vm11 =	veq.s32 v48, $0x0;
	vm9 =	vgt.f32 v12, v40  }
0xf8: {  	v47 =	vld [tilespmem:s7+$0x8E0];
	vm15 =	veq.f32 v12, v40;
	vm2 =	vmor vm14, vm2;
	vm6 =	vlt.s32 v13, v8  }
0xf9: {  	v49 =	vld [tilespmem:s7+$0xDE0];
	v51 =	vsel vm11, $0xC0000000, v23;
	v52 =	vsel vm11, $0x20000000, v24;
	vm14 =	veq.s32 v53, $0x0  }
0xfa: {  	v11 =	vsel vm2, v35, v17;
	v15 =	vsel vm2, v39, v20;
	vm1 =	vmand vm15, vm6  }
0xfb: {  	[tilespmem:s7+$0x1270] =	vst v2;
	v2 =	vld [tilespmem:s7+$0x8D1];
	vm12 =	veq.f32 v44, v51;
	vm13 =	vlt.s32 v45, v52;
	vm15 =	vgt.f32 v44, v51  }
0xfc: {  	[tilespmem:s7+$0x1770] =	vst v3;
	v3 =	vld [tilespmem:s7+$0xDD1];
	v55 =	vsel vm14, $0xC0000000, v25;
	v56 =	vsel vm14, $0x20000000, v26;
	vm7 =	veq.f32 v11, v16  }
0xfd: {  	vm8 =	vlt.s32 v15, v18;
	vm0 =	vmor vm9, vm1;
	vm10 =	vgt.f32 v11, v16  }
0xfe: {  	v57 =	vld [tilespmem:s7+$0x8E1];
	vm4 =	veq.f32 v47, v55;
	vm5 =	vlt.s32 v49, v56;
	vm6 =	vgt.f32 v47, v55  }
0xff: {  	v59 =	vld [tilespmem:s7+$0xDE1];
	[tilespmem:s7+$0x1280] =	vst v4;
	vm9 =	vmand vm7, vm8;
	v12 =	vsel vm0, v12, v40;
	v8 =	vsel vm0, v13, v8  }
0x100: {  	[tilespmem:s7+$0x1780] =	vst v5;
	vm0 =	vmand vm12, vm13;
	vm7 =	veq.s32 v54, $0x0;
	vm1 =	vmor vm10, vm9  }
0x101: {  	[tilespmem:s7+$0x1290] =	vst v7;
	vm0 =	vmor vm15, vm0;
	v2 =	vsel vm7, $0xC0000000, v2;
	v3 =	vsel vm7, $0x20000000, v3  }
0x102: {  	[tilespmem:s7+$0x1790] =	vst v6;
	vm10 =	veq.s32 v61, $0x0;
	v11 =	vsel vm1, v11, v16;
	v50 =	vsel vm1, v15, v18  }
0x103: {  	[tilespmem:s7+$0x12A0] =	vst v10;
	v58 =	vsel vm0, v44, v51;
	vm1 =	vmand vm4, vm5;
	v60 =	vsel vm0, v45, v52  }
0x104: {  	[tilespmem:s7+$0x17A0] =	vst v9;
	v5 =	vsel vm10, $0xC0000000, v57;
	v63 =	vsel vm10, $0x20000000, v59;
	vm1 =	vmor vm6, vm1  }
0x105: {  	[tilespmem:s7+$0x12B0] =	vst v12;
	vm8 =	veq.f32 v58, v2;
	vm9 =	vlt.s32 v60, v3;
	vm11 =	vgt.f32 v58, v2  }
0x106: {  	[tilespmem:s7+$0x17B0] =	vst v8;
	v4 =	vsel vm1, v47, v55;
	v62 =	vsel vm1, v49, v56;
	vm0 =	vmand vm8, vm9  }
0x107: {  	p1 =	slt.u32 s6, $0x38;
	[tilespmem:s7+$0x12C0] =	vst v11;
	vm0 =	vmor vm11, vm0;
	vm12 =	veq.f32 v4, v5;
	vm13 =	vlt.s32 v62, v63  }
.Ltmp2:
0x108: {  	[tilespmem:s7+$0x17C0] =	vst v50;
	vm14 =	vgt.f32 v4, v5;
	v2 =	vsel vm0, v58, v2;
	vm1 =	vmand vm12, vm13;
	(pc) =	sbr.rel @p1 .LBB2_4-.Ltmp2, $4  }
0x109: {  	[tilespmem:s7+$0x12D0] =	vst v2;
	v2 =	vsel vm0, v60, v3;
	vm15 =	vmor vm14, vm1  }
0x10a: {  	s9 =	sadd.s32 $0x8, s6;
	s5 =	simm.s32 $0xFFFFFFF8;
	[tilespmem:s7+$0x17D0] =	vst v2;
	v2 =	vsel vm15, v4, v5  }
0x10b: {  	s11 =	simm.s32 $0x2E40;
	s12 =	simm.s32 $0x21E0;
	s13 =	simm.s32 $0x1CE0;
	[tilespmem:s7+$0x12E0] =	vst v2;
	v2 =	vsel vm15, v62, v63  }
0x10c: {  	s8 =	simm.s32 $0x1276;
	s14 =	simm.s32 $0x1776;
	s6 =	smov.u32 s9;
	[tilespmem:s7+$0x17E0] =	vst v2  }
0x10d: {  	v2 =	vld [tilespmem:s8+$0x6A]  }
0x10e: {  	v3 =	vld [tilespmem:s11+$0x30]  }
0x10f: {  	v4 =	vld [tilespmem:s8+$0x60]  }
0x110: {  	v5 =	vld [tilespmem:s14+$0x60]  }
0x111: {  	v6 =	vld [tilespmem:s14+$0x6A]  }
0x112: {  	v7 =	vld [tilespmem:s11+$0xFFFFFFD0]  }
0x113: {  	v8 =	vld [tilespmem:s8+$0x74]  }
0x114: {  	v9 =	vld [tilespmem:s14+$0x74]  }
0x115: {  	v10 =	vld [tilespmem:s11+$0xFFFFFFE0]  }
0x116: {  	v11 =	vld [tilespmem:s11+$0xFFFFFFF0]  }
0x117: {  	v12 =	vld [tilespmem:s11+$0x0]  }
0x118: {  	v14 =	vld [tilespmem:s11+$0x10]  }
0x119: {  	v15 =	vld [tilespmem:s11+$0xFFFFFFC0]  }
0x11a: {  	v16 =	vld [tilespmem:s8+$0xFFFFFFF0]  }
0x11b: {  	v17 =	vld [tilespmem:s14+$0xFFFFFFF0];
	v13 =	vand.u32 $0x1, v3  }
0x11c: {  	v18 =	vld [tilespmem:s8+$0x0];
	v3 =	vand.u32 $0x2, v3;
	vm0 =	veq.s32 v13, $0x0  }
0x11d: {  	v19 =	vld [tilespmem:s8+$0x10];
	v20 =	vand.u32 $0x1, v11;
	v4 =	vsel vm0, $0xC0000000, v4;
	v5 =	vsel vm0, $0x20000000, v5  }
0x11e: {  	v21 =	vld [tilespmem:s14+$0x10];
	v11 =	vand.u32 $0x2, v11;
	vm0 =	veq.f32 v2, v4;
	vm1 =	vlt.s32 v6, v5  }
0x11f: {  	v22 =	vld [tilespmem:s8+$0x20];
	vm2 =	vgt.f32 v2, v4;
	vm0 =	vmand vm0, vm1;
	vm1 =	veq.s32 v3, $0x0  }
0x120: {  	v24 =	vld [tilespmem:s14+$0x20];
	v3 =	vand.u32 $0x1, v7;
	v7 =	vand.u32 $0x2, v7;
	vm0 =	vmor vm2, vm0  }
0x121: {  	v27 =	vld [tilespmem:s14+$0x2A];
	v8 =	vsel vm1, $0xC0000000, v8;
	v9 =	vsel vm1, $0x20000000, v9;
	vm3 =	veq.s32 v3, $0x0  }
0x122: {  	v13 =	vld [tilespmem:s11+$0x20];
	v3 =	vand.u32 $0x1, v12;
	vm7 =	veq.s32 v7, $0x0;
	v2 =	vsel vm0, v2, v4  }
0x123: {  	v7 =	vld [tilespmem:s14+$0xFFFFFFFA];
	v5 =	vsel vm0, v6, v5;
	v6 =	vand.u32 $0x1, v10;
	vm8 =	veq.s32 v3, $0x0  }
0x124: {  	v4 =	vld [tilespmem:s14+$0x0];
	v10 =	vand.u32 $0x2, v10;
	vm0 =	veq.f32 v2, v8;
	vm1 =	vlt.s32 v5, v9  }
0x125: {  	v3 =	vld [tilespmem:s14+$0x30];
	vm2 =	vgt.f32 v2, v8;
	vm5 =	veq.s32 v10, $0x0;
	vm0 =	vmand vm0, vm1  }
0x126: {  	vm1 =	veq.s32 v20, $0x0;
	v20 =	vld [tilespmem:s8+$0xA];
	vm0 =	vmor vm2, vm0;
	vm2 =	veq.s32 v6, $0x0  }
0x127: {  	v6 =	vand.u32 $0x1, v14;
	v25 =	vsel vm0, v2, v8;
	v2 =	vand.u32 $0x1, v13;
	v8 =	vld [tilespmem:s8+$0x30]  }
0x128: {  	v23 =	vsel vm0, v5, v9;
	v5 =	vand.u32 $0x1, v15;
	vm0 =	veq.s32 v6, $0x0;
	v6 =	vld [tilespmem:s8+$0x40]  }
0x129: {  	v13 =	vand.u32 $0x2, v13;
	vm4 =	veq.s32 v5, $0x0;
	v5 =	vand.u32 $0x2, v15;
	v15 =	vld [tilespmem:s14+$0x40]  }
0x12a: {  	vm9 =	veq.s32 v2, $0x0;
	vm13 =	veq.s32 v13, $0x0;
	v13 =	vld [tilespmem:s8+$0x1A];
	v2 =	vsel vm4, $0xC0000000, v16  }
0x12b: {  	v16 =	vsel vm3, $0xC0000000, v18;
	v18 =	vsel vm3, $0x20000000, v4;
	v4 =	vand.u32 $0x2, v12;
	v12 =	vld [tilespmem:s14+$0x50]  }
0x12c: {  	v14 =	vand.u32 $0x2, v14;
	vm6 =	veq.s32 v5, $0x0;
	v5 =	vsel vm2, $0xC0000000, v19;
	v19 =	vld [tilespmem:s8+$0xFFFFFFFA]  }
0x12d: {  	v10 =	vsel vm2, $0x20000000, v21;
	v21 =	vsel vm1, $0x20000000, v24;
	v9 =	vsel vm4, $0x20000000, v17;
	v17 =	vld [tilespmem:s8+$0x50]  }
0x12e: {  	v24 =	vsel vm8, $0x20000000, v3;
	vm4 =	veq.s32 v11, $0x0;
	vm2 =	veq.s32 v14, $0x0;
	v14 =	vld [tilespmem:s14+$0xA]  }
0x12f: {  	v29 =	vld [tilespmem:s8+$0x3A];
	v11 =	vsel vm1, $0xC0000000, v22;
	vm3 =	veq.s32 v4, $0x0;
	vm1 =	vlt.s32 v7, v9  }
0x130: {  	v22 =	vsel vm8, $0xC0000000, v8;
	v6 =	vsel vm0, $0xC0000000, v6;
	v26 =	vsel vm0, $0x20000000, v15;
	v15 =	vld [tilespmem:s14+$0x1A]  }
0x131: {  	vm10 =	veq.f32 v13, v5;
	v28 =	vsel vm9, $0x20000000, v12;
	vm0 =	veq.f32 v19, v2;
	v12 =	vld [tilespmem:s8+$0x2A]  }
0x132: {  	v30 =	vld [tilespmem:s14+$0x3A];
	v17 =	vsel vm9, $0xC0000000, v17;
	vm8 =	vgt.f32 v19, v2;
	vm0 =	vmand vm0, vm1  }
0x133: {  	v31 =	vld [tilespmem:s14+$0x4A];
	vm9 =	veq.f32 v20, v16;
	vm0 =	vmor vm8, vm0;
	vm8 =	vlt.s32 v14, v18  }
0x134: {  	v32 =	vld [tilespmem:s14+$0x5A];
	vm1 =	vgt.f32 v20, v16;
	vm8 =	vmand vm9, vm8;
	vm9 =	vgt.f32 v13, v5  }
0x135: {  	v33 =	vld [tilespmem:s8+$0x4];
	v2 =	vsel vm0, v19, v2;
	vm1 =	vmor vm1, vm8;
	vm8 =	vlt.s32 v15, v10  }
0x136: {  	v19 =	vld [tilespmem:s8+$0x4A];
	v3 =	vsel vm0, v7, v9;
	vm8 =	vmand vm10, vm8;
	vm10 =	vgt.f32 v12, v11  }
0x137: {  	v34 =	vld [tilespmem:s8+$0x24];
	vm11 =	veq.f32 v12, v11;
	v4 =	vsel vm1, v20, v16;
	v8 =	vsel vm1, v14, v18  }
0x138: {  	v7 =	vld [tilespmem:s8+$0x5A];
	vm0 =	vmor vm9, vm8;
	vm8 =	vlt.s32 v27, v21;
	vm9 =	vgt.f32 v29, v22  }
0x139: {  	v20 =	vld [tilespmem:s14+$0x14];
	vm8 =	vmand vm11, vm8;
	vm11 =	veq.f32 v29, v22;
	v13 =	vsel vm0, v13, v5  }
0x13a: {  	v15 =	vsel vm0, v15, v10;
	vm8 =	vmor vm10, vm8;
	vm10 =	vlt.s32 v30, v24  }
0x13b: {  	v18 =	vld [tilespmem:s8+$0x14];
	vm0 =	vlt.s32 v32, v28;
	vm12 =	veq.f32 v19, v6;
	vm10 =	vmand vm11, vm10  }
0x13c: {  	v35 =	vld [tilespmem:s14+$0x24];
	vm11 =	vgt.f32 v19, v6;
	v14 =	vsel vm8, v12, v11;
	v12 =	vsel vm8, v27, v21  }
0x13d: {  	v16 =	vld [tilespmem:s14+$0x4];
	v27 =	vsel vm6, $0xC0000000, v33;
	v21 =	vsel vm5, $0xC0000000, v34;
	vm1 =	vmor vm9, vm10  }
0x13e: {  	v36 =	vld [tilespmem:s8+$0x34];
	vm9 =	vlt.s32 v31, v26;
	vm10 =	vgt.f32 v7, v17;
	v20 =	vsel vm7, $0x20000000, v20  }
0x13f: {  	vm9 =	vmand vm12, vm9;
	vm12 =	veq.f32 v7, v17;
	v11 =	vsel vm1, v29, v22;
	v22 =	vld [tilespmem:s14+$0x34]  }
0x140: {  	v10 =	vsel vm1, v30, v24;
	v24 =	vsel vm7, $0xC0000000, v18;
	v29 =	vld [tilespmem:s8+$0x54];
	vm0 =	vmand vm12, vm0  }
0x141: {  	vm7 =	veq.f32 v2, v27;
	v30 =	vld [tilespmem:s14+$0x54];
	vm9 =	vmor vm11, vm9;
	vm0 =	vmor vm10, vm0  }
0x142: {  	v9 =	vsel vm9, v19, v6;
	v6 =	vsel vm9, v31, v26;
	v19 =	vld [tilespmem:s8+$0x44];
	v26 =	vsel vm6, $0x20000000, v16  }
0x143: {  	v16 =	vsel vm5, $0x20000000, v35;
	vm9 =	veq.f32 v4, v24;
	v5 =	vsel vm0, v32, v28;
	v28 =	vld [tilespmem:s14+$0x44]  }
0x144: {  	vm10 =	vlt.s32 v8, v20;
	vm6 =	veq.f32 v13, v21;
	v7 =	vsel vm0, v7, v17  }
0x145: {  	vm5 =	vlt.s32 v3, v26;
	v17 =	vsel vm4, $0xC0000000, v36;
	vm8 =	vlt.s32 v15, v16  }
0x146: {  	[tilespmem:s13+$0x0] =	vst v25;
	vm7 =	vmand vm7, vm5;
	vm5 =	vmand vm9, vm10;
	v18 =	vsel vm4, $0x20000000, v22  }
0x147: {  	[tilespmem:s12+$0x0] =	vst v23;
	vm4 =	veq.f32 v14, v17;
	v25 =	vsel vm2, $0xC0000000, v29;
	v23 =	vsel vm2, $0x20000000, v30  }
0x148: {  	s17 =	simm.s32 $0x0;
	s6 =	simm.s32 $0x1CB0;
	s7 =	simm.s32 $0x21B0;
	v29 =	vld [tilespmem:s14+$0x64];
	vm1 =	vlt.s32 v12, v18;
	v22 =	vsel vm3, $0xC0000000, v19;
	v19 =	vsel vm3, $0x20000000, v28  }
0x149: {  	s18 =	simm.s32 $0x12F6;
	s15 =	simm.s32 $0x1CE0;
	s16 =	simm.s32 $0x21E0;
	vm2 =	veq.f32 v9, v25;
	vm0 =	veq.f32 v11, v22;
	v28 =	vld [tilespmem:s8+$0x64];
	vm3 =	vlt.s32 v10, v19  }
.LBB2_6:
0x14a: {  	v30 =	vld [tilespmem:s18+$0x6A];
	s11 =	sadd.s32 $0x80, s11  }
0x14b: {  	v31 =	vld [tilespmem:s11+$0x30]  }
0x14c: {  	vm6 =	vmand vm6, vm8;
	vm8 =	vlt.s32 v6, v23;
	v35 =	vld [tilespmem:s11+$0xFFFFFFD0]  }
0x14d: {  	vm1 =	vmand vm4, vm1;
	vm3 =	vmand vm0, vm3;
	vm9 =	vgt.f32 v4, v24;
	v54 =	vld [tilespmem:s11+$0xFFFFFFE0]  }
0x14e: {  	v34 =	vimm.s32 $0x0;
	vm12 =	vgt.f32 v11, v22;
	v36 =	vimm.s32 $0x0;
	v39 =	vld [tilespmem:s11+$0xFFFFFFF0]  }
0x14f: {  	vm0 =	vmand vm2, vm8;
	vm8 =	vgt.f32 v2, v27;
	vm14 =	vmor vm9, vm5;
	v41 =	vld [tilespmem:s11+$0x10]  }
0x150: {  	vm9 =	vmor vm12, vm3;
	v42 =	vld [tilespmem:s11+$0x20];
	vm8 =	vmor vm8, vm7;
	vm7 =	vgt.f32 v9, v25  }
0x151: {  	v56 =	vld [tilespmem:s11+$0xFFFFFFC0];
	v11 =	vsel vm9, v11, v22;
	v28 =	vsel vm13, $0xC0000000, v28;
	v29 =	vsel vm13, $0x20000000, v29  }
0x152: {  	v32 =	vld [tilespmem:s18+$0x60];
	v2 =	vsel vm8, v2, v27;
	vm4 =	veq.f32 v7, v28;
	vm2 =	vlt.s32 v5, v29  }
0x153: {  	v53 =	vld [tilespmem:s18+$0x74];
	vm10 =	vgt.f32 v7, v28;
	vm2 =	vmand vm4, vm2;
	vm4 =	vgt.f32 v14, v17  }
0x154: {  	s14 =	sadd.s32 $0x80, s14;
	v43 =	vld [tilespmem:s18+$0xFFFFFFF0];
	v36 =	vsel vm10, $0xFFFFFFFF, v36;
	v37 =	vand.u32 $0x1, v31;
	v31 =	vand.u32 $0x2, v31  }
0x155: {  	v45 =	vld [tilespmem:s14+$0xFFFFFFF0];
	v57 =	vand.u32 $0x1, v54;
	v44 =	vand.u32 $0x1, v39;
	v58 =	vand.u32 $0x1, v41  }
0x156: {  	v46 =	vld [tilespmem:s18+$0x0];
	v60 =	vand.u32 $0x1, v42;
	v61 =	vand.u32 $0x1, v56;
	v48 =	vand.u32 $0x2, v35  }
0x157: {  	v33 =	vld [tilespmem:s14+$0x60];
	v39 =	vand.u32 $0x2, v39;
	v41 =	vand.u32 $0x2, v41;
	v42 =	vand.u32 $0x2, v42  }
0x158: {  	v52 =	vld [tilespmem:s14+$0x6A];
	v34 =	vsel vm2, $0xFFFFFFFF, v34;
	vm2 =	vgt.f32 v13, v21;
	vm10 =	vmor vm4, vm1  }
0x159: {  	v38 =	vld [tilespmem:s14+$0x74];
	vm5 =	veq.s32 v61, $0x0;
	vm11 =	vmor vm2, vm6;
	vm2 =	veq.s32 v37, $0x0  }
0x15a: {  	v40 =	vld [tilespmem:s11+$0x0];
	vm6 =	vmor vm7, vm0;
	v63 =	vsel vm5, $0x20000000, v45;
	v37 =	vand.u32 $0x2, v54  }
0x15b: {  	v62 =	vld [tilespmem:s18+$0x10];
	vm7 =	veq.s32 v48, $0x0;
	v14 =	vsel vm10, v14, v17;
	v32 =	vsel vm2, $0xC0000000, v32  }
0x15c: {  	v49 =	vld [tilespmem:s18+$0x20];
	v33 =	vsel vm2, $0x20000000, v33;
	vm2 =	veq.s32 v31, $0x0;
	v31 =	vand.u32 $0x1, v35  }
0x15d: {  	v59 =	vld [tilespmem:s14+$0x0];
	[tilespmem:$0x1FF90] =	vst v36;
	v9 =	vsel vm6, v9, v25;
	vm0 =	veq.f32 v30, v32;
	vm1 =	vlt.s32 v52, v33  }
0x15e: {  	v27 =	vld [tilespmem:$0x1FF90];
	vm3 =	vgt.f32 v30, v32;
	v36 =	vsel vm2, $0xC0000000, v53;
	v38 =	vsel vm2, $0x20000000, v38  }
0x15f: {  	v51 =	vld [tilespmem:s14+$0x20];
	vm4 =	veq.s32 v31, $0x0;
	v31 =	vand.u32 $0x1, v40;
	v40 =	vand.u32 $0x2, v40  }
0x160: {  	v22 =	vld [tilespmem:s18+$0x4A];
	vm0 =	vmand vm0, vm1;
	vm12 =	veq.s32 v31, $0x0;
	v50 =	vsel vm4, $0xC0000000, v46  }
0x161: {  	v61 =	vld [tilespmem:s14+$0x50];
	vm13 =	veq.s32 v40, $0x0;
	vm0 =	vmor vm3, vm0;
	vm3 =	veq.s32 v57, $0x0  }
0x162: {  	[tilespmem:$0x1FFA0] =	vst v34;
	v54 =	vld [tilespmem:s18+$0x40];
	v30 =	vsel vm0, v30, v32;
	v55 =	vsel vm0, v52, v33;
	v32 =	vsel vm5, $0xC0000000, v43  }
0x163: {  	vm15 =	vnez.u8 v27;
	v27 =	vld [tilespmem:$0x1FFA0];
	vm0 =	veq.f32 v30, v36;
	vm1 =	vlt.s32 v55, v38  }
0x164: {  	v31 =	vld [tilespmem:s14+$0x10];
	vm5 =	veq.s32 v37, $0x0;
	vm2 =	vgt.f32 v30, v36;
	vm0 =	vmand vm0, vm1  }
0x165: {  	v53 =	vld [tilespmem:s14+$0x30];
	vm1 =	veq.s32 v58, $0x0;
	v58 =	vimm.s32 $0x0;
	vm0 =	vmor vm2, vm0  }
0x166: {  	s13 =	sadd.s32 $0x80, s13;
	v52 =	vld [tilespmem:s18+$0x30];
	vm2 =	veq.s32 v44, $0x0;
	v30 =	vsel vm0, v30, v36;
	v36 =	vsel vm4, $0x20000000, v59  }
0x167: {  	v35 =	vsel vm2, $0xC0000000, v49;
	v57 =	vsel vm2, $0x20000000, v51;
	vm2 =	veq.s32 v41, $0x0;
	v59 =	vld [tilespmem:s18+$0x50];
	[tilespmem:s13+$0x0] =	vst v30  }
0x168: {  	s12 =	sadd.s32 $0x80, s12;
	v30 =	vsel vm0, v55, v38;
	v40 =	vsel vm2, $0xFFFFFFFF, v58;
	vm2 =	vnez.u8 v27;
	v27 =	vld [tilespmem:s18+$0xFFFFFFFA];
	[tilespmem:s15+$0xFFFFFF90] =	vst v2  }
0x169: {  	v31 =	vsel vm3, $0x20000000, v31;
	v2 =	vsel vm8, v3, v26;
	[tilespmem:s12+$0x0] =	vst v30;
	v30 =	vand.u32 $0x2, v56;
	v56 =	vld [tilespmem:s14+$0x40]  }
0x16a: {  	vm0 =	veq.s32 v60, $0x0;
	v55 =	vimm.s32 $0x0;
	v3 =	vsel vm14, v4, v24;
	v4 =	vld [tilespmem:s14+$0xFFFFFFFA];
	[tilespmem:s16+$0xFFFFFF90] =	vst v2  }
0x16b: {  	v60 =	vsel vm12, $0xC0000000, v52;
	v2 =	vsel vm14, v8, v20;
	v8 =	vsel vm11, v13, v21;
	v13 =	vld [tilespmem:s18+$0xA];
	[tilespmem:s15+$0xFFFFFFA0] =	vst v3  }
0x16c: {  	v38 =	vsel vm12, $0x20000000, v53;
	v24 =	vsel vm1, $0xC0000000, v54;
	v3 =	vsel vm11, v15, v16;
	v15 =	vld [tilespmem:s14+$0xA];
	[tilespmem:s16+$0xFFFFFFA0] =	vst v2  }
0x16d: {  	vm15 =	vmor vm15, vm2;
	v17 =	vsel vm0, $0x20000000, v61;
	v2 =	vsel vm10, v12, v18;
	v12 =	vld [tilespmem:s18+$0x1A];
	[tilespmem:s15+$0xFFFFFFB0] =	vst v8  }
0x16e: {  	vm12 =	veq.f32 v22, v24;
	vm4 =	veq.s32 v30, $0x0;
	v8 =	vsel vm9, v10, v19;
	v10 =	vld [tilespmem:s14+$0x1A]  }
0x16f: {  	v30 =	vsel vm3, $0xC0000000, v62;
	v7 =	vsel vm15, v7, v28;
	[tilespmem:s16+$0xFFFFFFB0] =	vst v3;
	v3 =	vsel vm6, v6, v23;
	v6 =	vld [tilespmem:s18+$0x2A]  }
0x170: {  	[tilespmem:s15+$0xFFFFFFC0] =	vst v14;
	v20 =	vsel vm1, $0x20000000, v56;
	vm1 =	veq.f32 v27, v32;
	vm8 =	vlt.s32 v4, v63  }
0x171: {  	v16 =	vsel vm0, $0xC0000000, v59;
	v18 =	vld [tilespmem:s14+$0x2A];
	vm0 =	vgt.f32 v27, v32;
	vm1 =	vmand vm1, vm8  }
0x172: {  	v19 =	vld [tilespmem:s18+$0x3A];
	[tilespmem:s15+$0xFFFFFFD0] =	vst v11;
	vm9 =	veq.f32 v13, v50;
	vm0 =	vmor vm0, vm1;
	vm1 =	vlt.s32 v15, v36  }
0x173: {  	[tilespmem:s15+$0xFFFFFFE0] =	vst v9;
	v21 =	vld [tilespmem:s14+$0x3A];
	vm8 =	vgt.f32 v13, v50;
	vm10 =	veq.f32 v12, v30;
	vm1 =	vmand vm9, vm1  }
0x174: {  	v25 =	vld [tilespmem:s18+$0x5A];
	[tilespmem:s15+$0xFFFFFFF0] =	vst v7;
	vm11 =	veq.f32 v6, v35;
	vm1 =	vmor vm8, vm1;
	vm8 =	vlt.s32 v10, v31  }
0x175: {  	v23 =	vld [tilespmem:s14+$0x4A];
	[tilespmem:s16+$0xFFFFFFC0] =	vst v2;
	vm9 =	vgt.f32 v12, v30;
	v2 =	vsel vm0, v27, v32;
	vm8 =	vmand vm10, vm8  }
0x176: {  	v28 =	vld [tilespmem:s14+$0x4];
	[tilespmem:s16+$0xFFFFFFE0] =	vst v3;
	v3 =	vsel vm0, v4, v63;
	vm0 =	vmor vm9, vm8;
	vm8 =	vlt.s32 v18, v57  }
0x177: {  	v5 =	vsel vm15, v5, v29;
	v26 =	vld [tilespmem:s14+$0x5A];
	vm10 =	vgt.f32 v6, v35;
	vm8 =	vmand vm11, vm8  }
0x178: {  	[tilespmem:s16+$0xFFFFFFF0] =	vst v5;
	v5 =	vld [tilespmem:s18+$0x4];
	vm11 =	veq.f32 v19, v60;
	vm8 =	vmor vm10, vm8;
	vm10 =	vlt.s32 v21, v38  }
0x179: {  	v29 =	vld [tilespmem:s18+$0x14];
	v4 =	vsel vm1, v13, v50;
	vm9 =	vgt.f32 v19, v60;
	vm10 =	vmand vm11, vm10  }
0x17a: {  	[tilespmem:s16+$0xFFFFFFD0] =	vst v8;
	v62 =	vld [tilespmem:s14+$0x14];
	v8 =	vsel vm1, v15, v36;
	vm1 =	vmor vm9, vm10;
	vm9 =	vlt.s32 v23, v20  }
0x17b: {  	v37 =	vsel vm13, $0xFFFFFFFF, v55;
	v63 =	vld [tilespmem:s18+$0x24];
	vm11 =	vgt.f32 v22, v24;
	vm9 =	vmand vm12, vm9  }
0x17c: {  	vm13 =	veq.s32 v42, $0x0;
	[tilespmem:$0x1FFB0] =	vst v37;
	v11 =	vsel vm1, v19, v60;
	v19 =	vld [tilespmem:s18+$0x44];
	vm9 =	vmor vm11, vm9  }
0x17d: {  	vm3 =	veq.s32 v39, $0x0;
	v27 =	vsel vm4, $0xC0000000, v5;
	v9 =	vsel vm9, v22, v24;
	v22 =	vld [tilespmem:$0x1FFB0]  }
0x17e: {  	v13 =	vsel vm0, v12, v30;
	v14 =	vsel vm8, v6, v35;
	v6 =	vsel vm9, v23, v20;
	v23 =	vld [tilespmem:s14+$0x44]  }
0x17f: {  	v30 =	vld [tilespmem:s14+$0x24];
	v15 =	vsel vm0, v10, v31;
	vm12 =	veq.f32 v25, v16;
	vm11 =	vlt.s32 v26, v17  }
0x180: {  	v31 =	vld [tilespmem:s18+$0x34];
	v12 =	vsel vm8, v18, v57;
	vm10 =	vgt.f32 v25, v16;
	vm0 =	vmand vm12, vm11  }
0x181: {  	v18 =	vld [tilespmem:s14+$0x34];
	v10 =	vsel vm1, v21, v38;
	v21 =	vsel vm5, $0xC0000000, v63;
	vm0 =	vmor vm10, vm0  }
0x182: {  	[tilespmem:$0x1FFC0] =	vst v40;
	v7 =	vsel vm0, v25, v16;
	v5 =	vsel vm0, v26, v17;
	vm0 =	vnez.u8 v22  }
0x183: {  	vm6 =	veq.f32 v13, v21;
	v22 =	vsel vm0, $0xC0000000, v19;
	v19 =	vsel vm0, $0x20000000, v23;
	v23 =	vld [tilespmem:$0x1FFC0]  }
0x184: {  	s17 =	sadd.s32 $0x8, s17;
	v24 =	vsel vm7, $0xC0000000, v29;
	v20 =	vsel vm7, $0x20000000, v62;
	vm7 =	veq.f32 v2, v27;
	v25 =	vld [tilespmem:s18+$0x54]  }
0x185: {  	p1 =	slt.u32 s17, $0x38;
	vm9 =	veq.f32 v4, v24;
	vm10 =	vlt.s32 v8, v20;
	v16 =	vsel vm5, $0x20000000, v30;
	v30 =	vld [tilespmem:s14+$0x54]  }
.Ltmp3:
0x186: {  	v18 =	vsel vm3, $0x20000000, v18;
	v26 =	vsel vm4, $0x20000000, v28;
	v17 =	vsel vm3, $0xC0000000, v31;
	(pc) =	sbr.rel @p1 .LBB2_6-.Ltmp3, $4  }
0x187: {  	vm1 =	vlt.s32 v12, v18;
	vm5 =	vlt.s32 v3, v26;
	vm8 =	vlt.s32 v15, v16  }
0x188: {  	vm4 =	veq.f32 v14, v17;
	vm7 =	vmand vm7, vm5;
	vm2 =	vnez.u8 v23  }
0x189: {  	s8 =	simm.s32 $0x3240;
	s9 =	simm.s32 $0xDE0;
	s10 =	simm.s32 $0x8E0;
	v29 =	vld [tilespmem:s14+$0x64];
	vm5 =	vmand vm9, vm10;
	vm0 =	veq.f32 v11, v22;
	v25 =	vsel vm2, $0xC0000000, v25  }
0x18a: {  	s15 =	smov.u32 s13;
	s16 =	smov.u32 s12;
	v28 =	vld [tilespmem:s18+$0x64];
	s18 =	sadd.s32 $0x80, s18;
	vm3 =	vlt.s32 v10, v19;
	v23 =	vsel vm2, $0x20000000, v30;
	vm2 =	veq.f32 v9, v25  }
0x18b: {  	vm9 =	vgt.f32 v2, v27  }
0x18c: {  	vm7 =	vmor vm9, vm7  }
0x18d: {  	vm15 =	vgt.f32 v4, v24;
	v2 =	vsel vm7, v2, v27  }
0x18e: {  	vm6 =	vmand vm6, vm8;
	vm5 =	vmor vm15, vm5;
	[tilespmem:s15+$0xFFFFFF90] =	vst v2;
	v2 =	vsel vm7, v3, v26  }
0x18f: {  	vm12 =	vgt.f32 v13, v21;
	vm1 =	vmand vm4, vm1;
	v3 =	vsel vm5, v4, v24;
	[tilespmem:s16+$0xFFFFFF90] =	vst v2  }
0x190: {  	vm14 =	vgt.f32 v14, v17;
	vm6 =	vmor vm12, vm6;
	v58 =	vsel vm5, v8, v20;
	[tilespmem:s15+$0xFFFFFFA0] =	vst v3  }
0x191: {  	vm0 =	vmand vm0, vm3;
	vm3 =	vgt.f32 v11, v22;
	v3 =	vsel vm6, v13, v21;
	[tilespmem:s16+$0xFFFFFFA0] =	vst v58  }
0x192: {  	vm1 =	vmor vm14, vm1;
	vm0 =	vmor vm3, vm0;
	v60 =	vsel vm6, v15, v16;
	[tilespmem:s15+$0xFFFFFFB0] =	vst v3  }
0x193: {  	v61 =	vsel vm1, v12, v18;
	v62 =	vsel vm0, v10, v19;
	v3 =	vsel vm1, v14, v17;
	[tilespmem:s16+$0xFFFFFFB0] =	vst v60  }
0x194: {  	vm7 =	vlt.s32 v6, v23;
	v59 =	vsel vm13, $0x20000000, v29;
	v2 =	vsel vm13, $0xC0000000, v28;
	[tilespmem:s15+$0xFFFFFFC0] =	vst v3  }
0x195: {  	vm1 =	vmand vm2, vm7;
	vm2 =	vgt.f32 v9, v25;
	v3 =	vsel vm0, v11, v22;
	[tilespmem:s16+$0xFFFFFFC0] =	vst v61  }
0x196: {  	vm3 =	vlt.s32 v5, v59;
	vm15 =	veq.f32 v7, v2;
	vm1 =	vmor vm2, vm1;
	[tilespmem:s15+$0xFFFFFFD0] =	vst v3  }
0x197: {  	vm0 =	vmand vm15, vm3;
	vm2 =	vgt.f32 v7, v2;
	v3 =	vsel vm1, v9, v25;
	[tilespmem:s16+$0xFFFFFFD0] =	vst v62  }
0x198: {  	vm0 =	vmor vm2, vm0;
	v63 =	vsel vm1, v6, v23;
	[tilespmem:s15+$0xFFFFFFE0] =	vst v3  }
0x199: {  	v2 =	vsel vm0, v7, v2;
	[tilespmem:s16+$0xFFFFFFE0] =	vst v63  }
0x19a: {  	v3 =	vsel vm0, v5, v59;
	[tilespmem:s15+$0xFFFFFFF0] =	vst v2  }
0x19b: {  	vm1 =	vmxor vm1, vm1;
	[tilespmem:s16+$0xFFFFFFF0] =	vst v3  }
.LBB2_8:
0x19c: {  	v2 =	vld [tilespmem:s8+$0xFFFFFFC0]  }
0x19d: {  	v3 =	vld [tilespmem:s6+$0xFFFFFFC0]  }
0x19e: {  	v4 =	vld [tilespmem:s6+$0xFFFFFF5C]  }
0x19f: {  	v5 =	vld [tilespmem:s7+$0xFFFFFF5C]  }
0x1a0: {  	v6 =	vld [tilespmem:s7+$0xFFFFFFC0]  }
0x1a1: {  	v7 =	vld [tilespmem:s6+$0x24]  }
0x1a2: {  	v20 =	vld [tilespmem:s8+$0xFFFFFFD0];
	v8 =	vand.u32 $0x1, v2  }
0x1a3: {  	v9 =	vld [tilespmem:s7+$0x24];
	vm0 =	veq.s32 v8, $0x0  }
0x1a4: {  	v12 =	vld [tilespmem:s10+$0xFFFFFFA0];
	v4 =	vsel vm0, $0xC0000000, v4;
	v5 =	vsel vm0, $0x20000000, v5  }
0x1a5: {  	v26 =	vld [tilespmem:s8+$0xFFFFFFE0];
	v2 =	vand.u32 $0x2, v2;
	vm0 =	veq.f32 v3, v4;
	vm2 =	vlt.s32 v6, v5  }
0x1a6: {  	vm3 =	veq.s32 v2, $0x0;
	v2 =	vld [tilespmem:s9+$0xFFFFFF90];
	vm4 =	vgt.f32 v3, v4;
	vm0 =	vmand vm0, vm2  }
0x1a7: {  	v18 =	vld [tilespmem:s10+$0xFFFFFF90];
	v11 =	vand.u32 $0x1, v20;
	v7 =	vsel vm3, $0xC0000000, v7;
	vm0 =	vmor vm4, vm0  }
0x1a8: {  	v37 =	vld [tilespmem:s8+$0xFFFFFFF0];
	v9 =	vsel vm3, $0x20000000, v9;
	v3 =	vsel vm0, v3, v4;
	v19 =	vsel vm0, v6, v5  }
0x1a9: {  	v10 =	vld [tilespmem:s7+$0xFFFFFF6C];
	vm10 =	vgt.f32 v12, $0.0e+00;
	vm0 =	veq.f32 v3, v7;
	vm2 =	vlt.s32 v19, v9  }
0x1aa: {  	v23 =	vld [tilespmem:s7+$0xFFFFFFD0];
	v14 =	vand.u32 $0x1, v26;
	vm3 =	vgt.f32 v3, v7;
	vm0 =	vmand vm0, vm2  }
0x1ab: {  	v33 =	vand.u32 $0x2, v26;
	v22 =	vand.u32 $0x1, v2;
	v3 =	vld [tilespmem:s6+$0xFFFFFF6C];
	vm0 =	vmor vm3, vm0  }
0x1ac: {  	v21 =	vld [tilespmem:s6+$0xFFFFFFD0];
	vm2 =	vgt.f32 v18, $0.0e+00;
	v4 =	vsel vm0, v19, v9;
	vm0 =	veq.s32 v22, $0x0  }
0x1ad: {  	v24 =	vld [tilespmem:s6+$0x34];
	v44 =	vand.u32 $0x1, v37;
	vm5 =	veq.s32 v11, $0x0;
	vm0 =	vmand vm2, vm0  }
0x1ae: {  	v25 =	vld [tilespmem:s7+$0x34];
	vm2 =	vne.s32 v4, v2;
	vm3 =	veq.s32 v4, v2;
	v4 =	vand.u32 $0x1, v4  }
0x1af: {  	v10 =	vsel vm5, $0x20000000, v10;
	vm3 =	vmand vm0, vm3;
	vm12 =	veq.s32 v4, $0x1  }
0x1b0: {  	v27 =	vld [tilespmem:s6+$0xFFFFFFE0];
	v11 =	vsel vm5, $0xC0000000, v3;
	v3 =	vand.u32 $0x2, v20;
	vm5 =	vlt.s32 v23, v10  }
0x1b1: {  	v28 =	vld [tilespmem:s6+$0xFFFFFF7C];
	vm2 =	vmand vm12, vm2;
	vm13 =	veq.f32 v21, v11;
	vm6 =	veq.s32 v3, $0x0  }
0x1b2: {  	v30 =	vld [tilespmem:s7+$0xFFFFFF7C];
	vm7 =	vgt.f32 v21, v11;
	v5 =	vsel vm3, $0x1, v1;
	vm4 =	vmand vm13, vm5  }
0x1b3: {  	v31 =	vld [tilespmem:s7+$0xFFFFFFE0];
	vm2 =	vmand vm0, vm2;
	v9 =	vsel vm6, $0xC0000000, v24;
	v13 =	vsel vm6, $0x20000000, v25  }
0x1b4: {  	v3 =	vld [tilespmem:s9+$0xFFFFFFA0];
	vm0 =	vmxor vm0, vm3;
	vm13 =	veq.s32 v14, $0x0;
	v14 =	vand.u32 $0x2, v37  }
0x1b5: {  	v32 =	vld [tilespmem:s6+$0x44];
	v2 =	vor.u32 v5, v2;
	vm4 =	vmor vm7, vm4;
	v4 =	vsel vm2, $0xBF800000, v18  }
0x1b6: {  	v15 =	vld [tilespmem:s7+$0x44];
	vm0 =	vmxor vm2, vm0;
	v6 =	vsel vm4, v21, v11;
	v7 =	vsel vm4, v23, v10  }
0x1b7: {  	v39 =	vld [tilespmem:s6+$0xFFFFFF8C];
	vm14 =	veq.f32 v6, v9;
	vm15 =	vlt.s32 v7, v13;
	vm9 =	vgt.f32 v6, v9  }
0x1b8: {  	v41 =	vld [tilespmem:s7+$0xFFFFFF8C];
	v6 =	vsel vm13, $0xC0000000, v28;
	v9 =	vsel vm13, $0x20000000, v30;
	vm4 =	vmand vm14, vm15  }
0x1b9: {  	v18 =	vld [tilespmem:s8+$0x0];
	v29 =	vand.u32 $0x1, v3;
	vm14 =	veq.f32 v27, v6;
	vm6 =	vlt.s32 v31, v9  }
0x1ba: {  	v38 =	vld [tilespmem:s6+$0xFFFFFFF0];
	vm15 =	veq.s32 v33, $0x0;
	vm8 =	vgt.f32 v27, v6;
	vm3 =	vmor vm9, vm4  }
0x1bb: {  	v57 =	vld [tilespmem:s9+$0xFFFFFFD0];
	vm5 =	vmand vm14, vm6;
	v34 =	vsel vm15, $0xC0000000, v32;
	v35 =	vsel vm15, $0x20000000, v15  }
0x1bc: {  	v10 =	vld [tilespmem:s9+$0xFFFFFFC0];
	vm14 =	veq.s32 v44, $0x0;
	v7 =	vsel vm3, v7, v13;
	vm3 =	veq.s32 v29, $0x0  }
0x1bd: {  	v60 =	vld [tilespmem:s8+$0x10];
	vm5 =	vmor vm8, vm5;
	v45 =	vsel vm14, $0xC0000000, v39;
	v13 =	vsel vm14, $0x20000000, v41  }
0x1be: {  	v19 =	vand.u32 $0x1, v18;
	v55 =	vand.u32 $0x2, v18;
	vm2 =	vmand vm10, vm3  }
0x1bf: {  	vm3 =	vne.s32 v7, v3;
	vm11 =	veq.s32 v7, v3;
	v7 =	vand.u32 $0x1, v7  }
0x1c0: {  	v6 =	vsel vm5, v27, v6;
	v9 =	vsel vm5, v31, v9;
	vm15 =	veq.f32 v38, v45  }
0x1c1: {  	v36 =	vld [tilespmem:s10+$0xFFFFFFB0];
	vm14 =	vgt.f32 v38, v45;
	v49 =	vand.u32 $0x1, v10;
	v27 =	vand.u32 $0x1, v57  }
0x1c2: {  	v46 =	vld [tilespmem:s10+$0xFFFFFFC0];
	v31 =	vand.u32 $0x1, v60;
	vm4 =	vmand vm2, vm11;
	vm12 =	veq.s32 v7, $0x1  }
0x1c3: {  	v7 =	vld [tilespmem:s9+$0xFFFFFFB0];
	vm9 =	veq.f32 v6, v34;
	vm10 =	vlt.s32 v9, v35;
	vm11 =	vgt.f32 v6, v34  }
0x1c4: {  	vm3 =	vmand vm12, vm3;
	v8 =	vsel vm4, $0x1, v1;
	vm5 =	vmand vm9, vm10  }
0x1c5: {  	vm10 =	veq.s32 v49, $0x0;
	vm3 =	vmand vm2, vm3;
	vm2 =	vmxor vm2, vm4  }
0x1c6: {  	v16 =	vld [tilespmem:s7+$0xFFFFFFF0];
	v3 =	vor.u32 v8, v3;
	v6 =	vsel vm3, $0xBF800000, v12;
	vm2 =	vmxor vm3, vm2  }
0x1c7: {  	v43 =	vld [tilespmem:s6+$0x54];
	vm3 =	vmor vm11, vm5;
	vm11 =	vgt.f32 v46, $0.0e+00;
	vm0 =	vmor vm0, vm2  }
0x1c8: {  	v17 =	vld [tilespmem:s7+$0x54];
	v9 =	vsel vm3, v9, v35;
	vm3 =	vgt.f32 v36, $0.0e+00;
	v40 =	vand.u32 $0x1, v7  }
0x1c9: {  	v34 =	vld [tilespmem:s8+$0x20];
	v42 =	vand.u32 $0x1, v9;
	vm13 =	veq.s32 v9, v7;
	vm2 =	veq.s32 v40, $0x0  }
0x1ca: {  	v48 =	vld [tilespmem:s6+$0xFFFFFF9C];
	vm12 =	veq.s32 v42, $0x1;
	vm3 =	vmand vm3, vm2;
	vm2 =	vne.s32 v9, v7  }
0x1cb: {  	v50 =	vld [tilespmem:s7+$0xFFFFFF9C];
	vm4 =	vmand vm12, vm2;
	vm2 =	vmand vm3, vm13;
	vm12 =	vlt.s32 v16, v13  }
0x1cc: {  	v47 =	vld [tilespmem:s6+$0x0];
	vm13 =	veq.s32 v14, $0x0;
	vm4 =	vmand vm3, vm4;
	vm5 =	vmand vm15, vm12  }
0x1cd: {  	v23 =	vld [tilespmem:s9+$0xFFFFFFE0];
	vm3 =	vmxor vm3, vm2;
	v12 =	vsel vm13, $0xC0000000, v43;
	v17 =	vsel vm13, $0x20000000, v17  }
0x1ce: {  	v40 =	vld [tilespmem:s8+$0x30];
	vm12 =	veq.s32 v19, $0x0;
	v19 =	vand.u32 $0x2, v34;
	v9 =	vsel vm4, $0xBF800000, v36  }
0x1cf: {  	vm5 =	vmor vm14, vm5;
	vm3 =	vmxor vm4, vm3;
	v53 =	vsel vm12, $0xC0000000, v48  }
0x1d0: {  	v51 =	vld [tilespmem:s7+$0x0];
	v54 =	vsel vm12, $0x20000000, v50;
	v48 =	vsel vm2, $0x1, v1;
	v11 =	vsel vm5, v38, v45  }
0x1d1: {  	v52 =	vld [tilespmem:s6+$0x64];
	v13 =	vsel vm5, v16, v13;
	vm0 =	vmor vm0, vm3;
	vm14 =	veq.f32 v47, v53  }
0x1d2: {  	v20 =	vld [tilespmem:s7+$0x64];
	vm12 =	vgt.f32 v47, v53;
	v16 =	vand.u32 $0x2, v60;
	v38 =	vand.u32 $0x1, v23  }
0x1d3: {  	v56 =	vld [tilespmem:s10+$0xFFFFFFD0];
	v45 =	vand.u32 $0x1, v40;
	vm15 =	veq.f32 v11, v12;
	vm5 =	vlt.s32 v13, v17  }
0x1d4: {  	v7 =	vor.u32 v48, v7;
	vm9 =	vgt.f32 v11, v12;
	vm4 =	vmand vm15, vm5  }
0x1d5: {  	vm15 =	vlt.s32 v51, v54;
	vm4 =	vmor vm9, vm4;
	vm9 =	veq.s32 v55, $0x0  }
0x1d6: {  	vm6 =	vmand vm14, vm15;
	v13 =	vsel vm4, v13, v17;
	vm4 =	vmand vm11, vm10  }
0x1d7: {  	v17 =	vsel vm9, $0xC0000000, v52;
	vm6 =	vmor vm12, vm6;
	v58 =	vsel vm9, $0x20000000, v20  }
0x1d8: {  	vm9 =	veq.s32 v27, $0x0;
	vm10 =	vgt.f32 v56, $0.0e+00;
	v27 =	vand.u32 $0x1, v34  }
0x1d9: {  	vm5 =	vne.s32 v13, v10;
	vm3 =	veq.s32 v13, v10;
	v13 =	vand.u32 $0x1, v13  }
0x1da: {  	v25 =	vld [tilespmem:s6+$0xFFFFFFAC];
	v59 =	vsel vm6, v51, v54;
	vm3 =	vmand vm4, vm3;
	vm13 =	veq.s32 v13, $0x1  }
0x1db: {  	v28 =	vld [tilespmem:s7+$0xFFFFFFAC];
	v13 =	vsel vm6, v47, v53;
	vm14 =	vlt.s32 v59, v58;
	vm5 =	vmand vm13, vm5  }
0x1dc: {  	v61 =	vld [tilespmem:s6+$0x10];
	vm13 =	veq.f32 v13, v17;
	vm15 =	vgt.f32 v13, v17;
	v49 =	vsel vm3, $0x1, v1  }
0x1dd: {  	vm5 =	vmand vm4, vm5;
	vm4 =	vmxor vm4, vm3;
	vm6 =	vmand vm13, vm14  }
0x1de: {  	v62 =	vld [tilespmem:s7+$0x10];
	vm14 =	veq.s32 v31, $0x0;
	v54 =	vor.u32 v49, v10;
	v63 =	vsel vm5, $0xBF800000, v46  }
0x1df: {  	v21 =	vld [tilespmem:s6+$0x74];
	vm4 =	vmxor vm5, vm4;
	vm8 =	vmor vm15, vm6;
	v14 =	vsel vm14, $0xC0000000, v25  }
0x1e0: {  	v30 =	vld [tilespmem:s7+$0x74];
	v33 =	vsel vm14, $0x20000000, v28;
	vm0 =	vmor vm0, vm4;
	v26 =	vsel vm8, v59, v58  }
0x1e1: {  	vm4 =	vmand vm10, vm9;
	vm15 =	veq.f32 v61, v14;
	vm14 =	vgt.f32 v61, v14  }
0x1e2: {  	v51 =	vld [tilespmem:s9+$0xFFFFFFF0];
	v29 =	vand.u32 $0x1, v26;
	vm11 =	vne.s32 v26, v57;
	vm13 =	veq.s32 v26, v57  }
0x1e3: {  	v22 =	vld [tilespmem:s10+$0xFFFFFFE0];
	vm12 =	veq.s32 v29, $0x1;
	vm5 =	vmand vm4, vm13;
	vm13 =	veq.s32 v16, $0x0  }
0x1e4: {  	v24 =	vld [tilespmem:s6+$0x20];
	vm6 =	vmand vm12, vm11;
	vm12 =	vlt.s32 v62, v33;
	v21 =	vsel vm13, $0xC0000000, v21  }
0x1e5: {  	[tilespmem:s9+$0xFFFFFFA0] =	vst v3;
	v3 =	vld [tilespmem:s9+$0x0];
	v15 =	vsel vm13, $0x20000000, v30;
	vm13 =	veq.s32 v38, $0x0;
	v52 =	vsel vm5, $0x1, v1  }
0x1e6: {  	v37 =	vld [tilespmem:s6+$0x84];
	vm6 =	vmand vm4, vm6;
	vm7 =	vmand vm15, vm12;
	vm4 =	vmxor vm4, vm5  }
0x1e7: {  	[tilespmem:s9+$0xFFFFFF90] =	vst v2;
	v39 =	vld [tilespmem:s7+$0x84];
	v2 =	vor.u32 v52, v57;
	v57 =	vand.u32 $0x1, v51;
	v32 =	vsel vm6, $0xBF800000, v56  }
0x1e8: {  	v36 =	vld [tilespmem:s7+$0xFFFFFFBC];
	vm7 =	vmor vm14, vm7;
	vm4 =	vmxor vm6, vm4;
	vm14 =	vgt.f32 v22, $0.0e+00  }
0x1e9: {  	v46 =	vld [tilespmem:s6+$0x94];
	v14 =	vsel vm7, v61, v14;
	v17 =	vsel vm7, v62, v33;
	vm4 =	vmor vm0, vm4  }
0x1ea: {  	v25 =	vld [tilespmem:s6+$0xFFFFFFBC];
	vm0 =	vmand vm14, vm13;
	vm13 =	veq.s32 v19, $0x0;
	v62 =	vand.u32 $0x1, v3  }
0x1eb: {  	v44 =	vld [tilespmem:s7+$0x30];
	vm15 =	veq.f32 v14, v21;
	vm7 =	vlt.s32 v17, v15;
	vm12 =	vgt.f32 v14, v21  }
0x1ec: {  	v35 =	vld [tilespmem:s7+$0x20];
	v20 =	vsel vm13, $0xC0000000, v37;
	v21 =	vsel vm13, $0x20000000, v39;
	v14 =	vand.u32 $0x2, v40  }
0x1ed: {  	v42 =	vld [tilespmem:s7+$0xFFFFFFCC];
	vm11 =	veq.s32 v62, $0x0;
	vm6 =	vmand vm15, vm7;
	vm2 =	veq.s32 v14, $0x0  }
0x1ee: {  	v28 =	vld [tilespmem:s6+$0xFFFFFFCC];
	vm6 =	vmor vm12, vm6;
	vm12 =	veq.s32 v27, $0x0;
	v50 =	vsel vm2, $0xC0000000, v46  }
0x1ef: {  	v47 =	vld [tilespmem:s7+$0x94];
	v15 =	vsel vm6, v17, v15;
	v43 =	vsel vm12, $0xC0000000, v25;
	v18 =	vsel vm12, $0x20000000, v36  }
0x1f0: {  	v41 =	vld [tilespmem:s6+$0x30];
	vm6 =	vne.s32 v15, v23;
	v26 =	vand.u32 $0x1, v15;
	vm14 =	veq.f32 v24, v43  }
0x1f1: {  	vm8 =	vlt.s32 v35, v18;
	vm12 =	vgt.f32 v24, v43;
	vm15 =	veq.s32 v26, $0x1  }
0x1f2: {  	vm7 =	vmand vm14, vm8;
	vm6 =	vmand vm15, vm6;
	vm15 =	veq.s32 v45, $0x0  }
0x1f3: {  	v53 =	vld [tilespmem:s10+$0xFFFFFFF0];
	vm7 =	vmor vm12, vm7;
	v27 =	vsel vm15, $0xC0000000, v28;
	v26 =	vsel vm15, $0x20000000, v42  }
0x1f4: {  	v59 =	vld [tilespmem:s10+$0x0];
	v19 =	vsel vm7, v24, v43;
	v16 =	vsel vm7, v35, v18;
	v18 =	vsel vm2, $0x20000000, v47  }
0x1f5: {  	vm6 =	vmand vm0, vm6;
	vm13 =	veq.f32 v41, v27;
	vm9 =	vlt.s32 v44, v26  }
0x1f6: {  	vm14 =	vgt.f32 v41, v27;
	vm15 =	veq.f32 v19, v20;
	vm12 =	vlt.s32 v16, v21  }
0x1f7: {  	vm3 =	vgt.f32 v19, v20;
	v60 =	vsel vm6, $0xBF800000, v22;
	vm8 =	vmand vm13, vm9  }
0x1f8: {  	vm9 =	vgt.f32 v53, $0.0e+00;
	vm7 =	vmor vm14, vm8;
	vm8 =	vmand vm15, vm12  }
0x1f9: {  	vm14 =	veq.s32 v15, v23;
	vm15 =	veq.s32 v57, $0x0;
	vm12 =	vgt.f32 v59, $0.0e+00  }
0x1fa: {  	v17 =	vsel vm7, v41, v27;
	v25 =	vsel vm7, v44, v26;
	vm3 =	vmor vm3, vm8  }
0x1fb: {  	vm5 =	vmand vm0, vm14;
	vm2 =	vgt.f32 v17, v50;
	vm13 =	veq.f32 v17, v50  }
0x1fc: {  	[tilespmem:s10+$0xFFFFFF90] =	vst v4;
	v55 =	vsel vm5, $0x1, v1;
	v56 =	vsel vm3, v16, v21;
	vm3 =	vlt.s32 v25, v18  }
0x1fd: {  	[tilespmem:s10+$0xFFFFFFA0] =	vst v6;
	vm0 =	vmxor vm0, vm5;
	vm5 =	vmand vm9, vm15;
	v10 =	vor.u32 v55, v23  }
0x1fe: {  	[tilespmem:s9+$0xFFFFFFB0] =	vst v7;
	vm3 =	vmand vm13, vm3;
	v4 =	vand.u32 $0x1, v56;
	vm0 =	vmxor vm6, vm0  }
0x1ff: {  	[tilespmem:s10+$0xFFFFFFB0] =	vst v9;
	vm2 =	vmor vm2, vm3;
	vm3 =	vne.s32 v56, v51;
	vm10 =	veq.s32 v4, $0x1  }
0x200: {  	[tilespmem:s9+$0xFFFFFFC0] =	vst v54;
	vm0 =	vmor vm4, vm0;
	v58 =	vsel vm2, v25, v18;
	vm2 =	veq.s32 v56, v51  }
0x201: {  	[tilespmem:s10+$0xFFFFFFC0] =	vst v63;
	vm4 =	vmand vm12, vm11;
	vm3 =	vmand vm10, vm3;
	vm2 =	vmand vm5, vm2  }
0x202: {  	[tilespmem:s9+$0xFFFFFFD0] =	vst v2;
	vm3 =	vmand vm5, vm3;
	vm13 =	veq.s32 v58, v3;
	v63 =	vand.u32 $0x1, v58  }
0x203: {  	s5 =	sadd.s32 $0x8, s5;
	[tilespmem:s10+$0xFFFFFFD0] =	vst v32;
	vm14 =	vne.s32 v58, v3;
	v61 =	vsel vm2, $0x1, v1;
	v5 =	vsel vm3, $0xBF800000, v53  }
0x204: {  	p1 =	slt.u32 s5, $0x38;
	[tilespmem:s9+$0xFFFFFFE0] =	vst v10;
	vm2 =	vmxor vm5, vm2;
	vm5 =	vmand vm4, vm13;
	vm15 =	veq.s32 v63, $0x1  }
.Ltmp4:
0x205: {  	[tilespmem:s10+$0xFFFFFFE0] =	vst v60;
	v2 =	vor.u32 v61, v51;
	vm2 =	vmxor vm3, vm2;
	vm3 =	vmand vm15, vm14;
	(pc) =	sbr.rel @p1 .LBB2_8-.Ltmp4, $4  }
0x206: {  	[tilespmem:s9+$0xFFFFFFF0] =	vst v2;
	v2 =	vsel vm5, $0x1, v1;
	vm3 =	vmand vm4, vm3;
	vm4 =	vmxor vm4, vm5  }
0x207: {  	vm0 =	vmor vm0, vm2;
	[tilespmem:s10+$0xFFFFFFF0] =	vst v5;
	v2 =	vor.u32 v2, v3;
	vm2 =	vmxor vm3, vm4  }
0x208: {  	s8 =	sadd.s32 $0x80, s8;
	s7 =	sadd.s32 $0x80, s7;
	[tilespmem:s9+$0x0] =	vst v2;
	v2 =	vsel vm3, $0xBF800000, v59;
	vm0 =	vmor vm0, vm2  }
0x209: {  	s6 =	sadd.s32 $0x80, s6;
	s9 =	sadd.s32 $0x80, s9;
	[tilespmem:s10+$0x0] =	vst v2;
	vm1 =	vmor vm1, vm0;
	s10 =	sadd.s32 $0x80, s10  }
0x20a: {  	v2 =	vsel vm1, $0x3F800000, v0  }
0x20b: {  	(xrf0) =	vmax.scan.msk.f32 $0xffff, v2;
	_ =	sdelay $0x5  }
0x20c: {  	v2, _, _ =	vpop (xrf0)  }
0x20d: {  	(v2sf) =	vpush v2, $0xF;
	_ =	sdelay $0xe  }
0x20e: {  	s5 =	spop (v2sf)  }
0x20f: {  	p1 =	sgt.f32 s5, $0.0e+00  }
.Ltmp5:
0x210: {  	_ = 	snop;
	(pc) =	sbr.rel @p1 .LBB2_4-.Ltmp5, $2  }
0x211: {  	_ =	sdelay $0x2  }
0x212: {  	s6 =	simm.s32 $0x0  }
.LBB2_10:
0x213: {  	s5 =	simm.s32 $0xDE0  }
0x214: {  	v2 =	vld [tilespmem:s5+$0xFFFFFF90]  }
0x215: {  	v3 =	vld [tilespmem:s5+$0xFFFFFFA0]  }
0x216: {  	v4 =	vld [tilespmem:s5+$0xFFFFFFB0]  }
0x217: {  	v1 =	vld [tilespmem:s5+$0xFFFFFFC0]  }
0x218: {  	v0 =	vld [tilespmem:s5+$0xFFFFFFD0]  }
0x219: {  	v5 =	vimm.s32 $0x0;
	v6 =	vand.u32 $0x1, v2;
	v2 =	vld [tilespmem:s5+$0xFFFFFFE0]  }
0x21a: {  	s3 =	sadd.s32 s4, s3;
	v5 =	vadd.s32 v5, v6;
	v6 =	vand.u32 $0x1, v3;
	v3 =	vld [tilespmem:s5+$0xFFFFFFF0]  }
0x21b: {  	s2 =	sadd.s32 s4, s2;
	s4 =	simm.s32 $0x0;
	v5 =	vadd.s32 v6, v5;
	v6 =	vand.u32 $0x1, v4;
	v4 =	vld [tilespmem:s5+$0x0];
	s5 =	simm.s32 $0xE60  }
.LBB2_11:
0x21c: {  	v7 =	vld [tilespmem:s5+$0xFFFFFF90];
	s4 =	sadd.s32 $0x8, s4;
	v5 =	vadd.s32 v6, v5;
	v1 =	vand.u32 $0x1, v1  }
0x21d: {  	v6 =	vld [tilespmem:s5+$0xFFFFFFA0];
	p1 =	slt.u32 s4, $0x38;
	v1 =	vadd.s32 v1, v5;
	v0 =	vand.u32 $0x1, v0  }
0x21e: {  	v8 =	vld [tilespmem:s5+$0xFFFFFFB0];
	v0 =	vadd.s32 v0, v1;
	v2 =	vand.u32 $0x1, v2  }
.Ltmp6:
0x21f: {  	v1 =	vld [tilespmem:s5+$0xFFFFFFC0];
	v2 =	vadd.s32 v2, v0;
	v3 =	vand.u32 $0x1, v3;
	(pc) =	sbr.rel @p1 .LBB2_11-.Ltmp6, $4  }
0x220: {  	v0 =	vld [tilespmem:s5+$0xFFFFFFD0];
	v3 =	vadd.s32 v3, v2;
	v4 =	vand.u32 $0x1, v4  }
0x221: {  	v5 =	vand.u32 $0x1, v7;
	v2 =	vld [tilespmem:s5+$0xFFFFFFE0];
	v3 =	vadd.s32 v4, v3  }
0x222: {  	v4 =	vadd.s32 v3, v5;
	v5 =	vand.u32 $0x1, v6;
	v3 =	vld [tilespmem:s5+$0xFFFFFFF0]  }
0x223: {  	v5 =	vadd.s32 v5, v4;
	v6 =	vand.u32 $0x1, v8;
	v4 =	vld [tilespmem:s5+$0x0];
	s5 =	sadd.s32 $0x80, s5  }
0x224: {  	v5 =	vadd.s32 v6, v5;
	v1 =	vand.u32 $0x1, v1  }
0x225: {  	v1 =	vadd.s32 v1, v5;
	v0 =	vand.u32 $0x1, v0  }
0x226: {  	v0 =	vadd.s32 v0, v1;
	v61 =	vand.u32 $0x1, v2  }
0x227: {  	v0 =	vadd.s32 v61, v0;
	v62 =	vand.u32 $0x1, v3  }
0x228: {  	v0 =	vadd.s32 v62, v0;
	v63 =	vand.u32 $0x1, v4  }
0x229: {  	v0 =	vadd.s32 v63, v0  }
0x22a: {  	(xrf0) =	vadd.scan.msk.s32 $0xffff, v0;
	_ =	sdelay $0x5  }
0x22b: {  	v0, _, _ =	vpop (xrf0)  }
0x22c: {  	(v2sf) =	vpush v0, $0xF;
	_ =	sdelay $0xe  }
0x22d: {  	s4 =	spop (v2sf)  }
0x22e: {  	p1 =	slt.s32 s4, $0x65  }
.Ltmp7:
0x22f: {  	_ = 	snop;
	(pc) =	sbr.rel @p1 .LBB2_22-.Ltmp7, $1  }
0x230: {  	_ =	sdelay $0x3  }
0x231: {  	s5 =	simm.s32 $0x0;
	s4 =	simm.s32 $0x3FFFFFFF;
	v0 =	vimm.s32 $0x0;
	s6 =	simm.s32 $0x0  }
.LBB2_14:
0x232: {  	s9 =	simm.s32 $0x2640  }
0x233: {  	s7 =	sadd.s32 s5, s4;
	v3 =	vld [tilespmem:s9+$0xFFFFFFC0]  }
0x234: {  	s8 =	sshrl.u32 s7, $0x1F;
	v4 =	vld [tilespmem:s9+$0xFFFFFFD0]  }
0x235: {  	v6 =	vld [tilespmem:s9+$0xFFFFFFE0];
	s7 =	sadd.s32 s8, s7  }
0x236: {  	v5 =	vld [tilespmem:s9+$0xFFFFFFF0];
	s7 =	sshra.s32 s7, $0x1  }
0x237: {  	v2 =	vld [tilespmem:s9+$0x0];
	v1 =	vmov s7  }
0x238: {  	vm0 =	vgt.s32 v3, v1;
	v3 =	vld [tilespmem:s9+$0x10]  }
0x239: {  	v7 =	vsel vm0, $0x1, v0;
	vm0 =	vgt.s32 v4, v1;
	v4 =	vld [tilespmem:s9+$0x20]  }
0x23a: {  	s8 =	simm.s32 $0x0;
	v7 =	vadd.s32 v7, v0;
	v8 =	vsel vm0, $0x1, v0;
	vm0 =	vgt.s32 v6, v1;
	v6 =	vld [tilespmem:s9+$0x30];
	s9 =	simm.s32 $0x26C0  }
.LBB2_15:
0x23b: {  	v9 =	vld [tilespmem:s9+$0xFFFFFFC0];
	s8 =	sadd.s32 $0x8, s8;
	v7 =	vadd.s32 v8, v7;
	v8 =	vsel vm0, $0x1, v0;
	vm0 =	vgt.s32 v5, v1  }
0x23c: {  	v10 =	vld [tilespmem:s9+$0xFFFFFFD0];
	p1 =	slt.u32 s8, $0x38;
	v5 =	vadd.s32 v8, v7;
	v7 =	vsel vm0, $0x1, v0;
	vm0 =	vgt.s32 v2, v1  }
0x23d: {  	v11 =	vld [tilespmem:s9+$0xFFFFFFE0];
	v2 =	vadd.s32 v7, v5;
	v7 =	vsel vm0, $0x1, v0;
	vm0 =	vgt.s32 v3, v1  }
.Ltmp8:
0x23e: {  	v5 =	vld [tilespmem:s9+$0xFFFFFFF0];
	v3 =	vadd.s32 v7, v2;
	v7 =	vsel vm0, $0x1, v0;
	vm0 =	vgt.s32 v4, v1;
	(pc) =	sbr.rel @p1 .LBB2_15-.Ltmp8, $4  }
0x23f: {  	v2 =	vld [tilespmem:s9+$0x0];
	v4 =	vadd.s32 v7, v3;
	v7 =	vsel vm0, $0x1, v0;
	vm0 =	vgt.s32 v6, v1  }
0x240: {  	vm1 =	vgt.s32 v9, v1;
	v3 =	vld [tilespmem:s9+$0x10];
	v6 =	vadd.s32 v7, v4;
	v7 =	vsel vm0, $0x1, v0  }
0x241: {  	v8 =	vsel vm1, $0x1, v0;
	vm0 =	vgt.s32 v10, v1;
	v4 =	vld [tilespmem:s9+$0x20];
	v6 =	vadd.s32 v7, v6  }
0x242: {  	v7 =	vadd.s32 v8, v6;
	v8 =	vsel vm0, $0x1, v0;
	vm0 =	vgt.s32 v11, v1;
	v6 =	vld [tilespmem:s9+$0x30];
	s9 =	sadd.s32 $0x80, s9  }
0x243: {  	v7 =	vadd.s32 v8, v7;
	v60 =	vsel vm0, $0x1, v0;
	vm11 =	vgt.s32 v5, v1  }
0x244: {  	v61 =	vadd.s32 v60, v7;
	v62 =	vsel vm11, $0x1, v0;
	vm12 =	vgt.s32 v2, v1  }
0x245: {  	v2 =	vadd.s32 v62, v61;
	v63 =	vsel vm12, $0x1, v0;
	vm13 =	vgt.s32 v3, v1  }
0x246: {  	v2 =	vadd.s32 v63, v2;
	v3 =	vsel vm13, $0x1, v0;
	vm14 =	vgt.s32 v4, v1  }
0x247: {  	v2 =	vadd.s32 v3, v2;
	v3 =	vsel vm14, $0x1, v0;
	vm15 =	vgt.s32 v6, v1  }
0x248: {  	v1 =	vadd.s32 v3, v2;
	v2 =	vsel vm15, $0x1, v0  }
0x249: {  	v1 =	vadd.s32 v2, v1  }
0x24a: {  	(xrf0) =	vadd.scan.msk.s32 $0xffff, v1;
	_ =	sdelay $0x5  }
0x24b: {  	v1, _, _ =	vpop (xrf0)  }
0x24c: {  	(v2sf) =	vpush v1, $0xF;
	_ =	sdelay $0xb  }
0x24d: {  	s6 =	sadd.s32 $0x1, s6  }
0x24e: {  	p2 =	seq.s32 s6, $0x1E  }
.Ltmp9:
0x24f: {  	_ = 	snop;
	(pc) =	sbr.rel @!p2 .LBB2_14-.Ltmp9, $4  }
0x250: {  	s8 =	spop (v2sf)  }
0x251: {  	p1 =	slt.s32 s8, $0x64;
	s8 =	sadd.s32 $0x1, s7  }
0x252: {  	s8 =	smov.u32 @p1 s5  }
0x253: {  	s4 =	smov.u32 @p1 s7;
	s5 =	smov.u32 s8  }
0x254: {  	s5 =	simm.s32 $0x2640  }
0x255: {  	v3 =	vld [tilespmem:s5+$0xFFFFFFC0]  }
0x256: {  	v4 =	vld [tilespmem:s5+$0xFFFFFFD0]  }
0x257: {  	v6 =	vld [tilespmem:s5+$0xFFFFFFE0]  }
0x258: {  	v5 =	vld [tilespmem:s5+$0xFFFFFFF0]  }
0x259: {  	v0 =	vmov s8;
	v2 =	vld [tilespmem:s5+$0x0]  }
0x25a: {  	v1 =	vimm.s32 $0x0;
	vm0 =	vgt.s32 v3, v0;
	v3 =	vld [tilespmem:s5+$0x10]  }
0x25b: {  	v7 =	vsel vm0, $0x1, v1;
	vm0 =	vgt.s32 v4, v0;
	v4 =	vld [tilespmem:s5+$0x20]  }
0x25c: {  	s4 =	simm.s32 $0x0;
	v7 =	vadd.s32 v7, v1;
	v8 =	vsel vm0, $0x1, v1;
	vm0 =	vgt.s32 v6, v0;
	v6 =	vld [tilespmem:s5+$0x30];
	s5 =	simm.s32 $0x26C0  }
.LBB2_18:
0x25d: {  	v9 =	vld [tilespmem:s5+$0xFFFFFFC0];
	s4 =	sadd.s32 $0x8, s4;
	v7 =	vadd.s32 v8, v7;
	v8 =	vsel vm0, $0x1, v1;
	vm0 =	vgt.s32 v5, v0  }
0x25e: {  	v10 =	vld [tilespmem:s5+$0xFFFFFFD0];
	p1 =	slt.u32 s4, $0x38;
	v5 =	vadd.s32 v8, v7;
	v7 =	vsel vm0, $0x1, v1;
	vm0 =	vgt.s32 v2, v0  }
0x25f: {  	v11 =	vld [tilespmem:s5+$0xFFFFFFE0];
	v2 =	vadd.s32 v7, v5;
	v7 =	vsel vm0, $0x1, v1;
	vm0 =	vgt.s32 v3, v0  }
.Ltmp10:
0x260: {  	v5 =	vld [tilespmem:s5+$0xFFFFFFF0];
	v3 =	vadd.s32 v7, v2;
	v7 =	vsel vm0, $0x1, v1;
	vm0 =	vgt.s32 v4, v0;
	(pc) =	sbr.rel @p1 .LBB2_18-.Ltmp10, $4  }
0x261: {  	v2 =	vld [tilespmem:s5+$0x0];
	v4 =	vadd.s32 v7, v3;
	v7 =	vsel vm0, $0x1, v1;
	vm0 =	vgt.s32 v6, v0  }
0x262: {  	vm1 =	vgt.s32 v9, v0;
	v3 =	vld [tilespmem:s5+$0x10];
	v6 =	vadd.s32 v7, v4;
	v7 =	vsel vm0, $0x1, v1  }
0x263: {  	v8 =	vsel vm1, $0x1, v1;
	vm0 =	vgt.s32 v10, v0;
	v4 =	vld [tilespmem:s5+$0x20];
	v6 =	vadd.s32 v7, v6  }
0x264: {  	v7 =	vadd.s32 v8, v6;
	v8 =	vsel vm0, $0x1, v1;
	vm0 =	vgt.s32 v11, v0;
	v6 =	vld [tilespmem:s5+$0x30];
	s5 =	sadd.s32 $0x80, s5  }
0x265: {  	v7 =	vadd.s32 v8, v7;
	v8 =	vsel vm0, $0x1, v1;
	vm0 =	vgt.s32 v5, v0  }
0x266: {  	v5 =	vadd.s32 v8, v7;
	v7 =	vsel vm0, $0x1, v1;
	vm0 =	vgt.s32 v2, v0  }
0x267: {  	v2 =	vadd.s32 v7, v5;
	v5 =	vsel vm0, $0x1, v1;
	vm0 =	vgt.s32 v3, v0  }
0x268: {  	v2 =	vadd.s32 v5, v2;
	v3 =	vsel vm0, $0x1, v1;
	vm0 =	vgt.s32 v4, v0  }
0x269: {  	v2 =	vadd.s32 v3, v2;
	v3 =	vsel vm0, $0x1, v1;
	vm0 =	vgt.s32 v6, v0  }
0x26a: {  	v2 =	vadd.s32 v3, v2;
	v1 =	vsel vm0, $0x1, v1  }
0x26b: {  	v1 =	vadd.s32 v1, v2  }
0x26c: {  	(xrf0) =	vadd.scan.msk.s32 $0xffff, v1  }
0x26d: {  	s8 =	simm.s32 $0x0  }
0x26e: {  	v9 =	vld [tilespmem:s8+$0x2600]  }
0x26f: {  	s6 =	simm.s32 $0x10  }
0x270: {  	v6 =	vld [tilespmem:s6+$0x2600];
	_ =	sdelay $0x1  }
0x271: {  	v1, _, _ =	vpop (xrf0)  }
0x272: {  	vm0 =	veq.s32 v9, v0;
	(v2sf) =	vpush v1, $0xF;
	v1 =	vimm.s32 $0x0  }
0x273: {  	v2 =	vsel vm0, $0x1, v1  }
0x274: {  	vm1 =	veq.s32 v6, v0;
	(xrf0) =	vadd.scan.msk.s32 $0xffff, v2  }
0x275: {  	s5 =	simm.s32 $0x20;
	v2 =	vsel vm1, $0x1, v1  }
0x276: {  	v5 =	vld [tilespmem:s5+$0x2600];
	(xrf0) =	vadd.scan.msk.s32 $0xffff, v2;
	_ =	sdelay $0x3  }
0x277: {  	v10, _, _ =	vpop (xrf0)  }
0x278: {  	vm4 =	veq.s32 v5, v0;
	v2 =	vxor.u32 $0x80000000, v10  }
0x279: {  	v8, _, _ =	vpop (xrf0);
	(xrf0) =	vmax.scan.msk.u32 $0xffff, v2;
	v2 =	vsel vm4, $0x1, v1  }
0x27a: {  	(xrf0) =	vadd.scan.msk.s32 $0xffff, v2;
	v2 =	vxor.u32 $0x80000000, v8  }
0x27b: {  	(xrf0) =	vmax.scan.msk.u32 $0xffff, v2;
	_ =	sdelay $0x3  }
0x27c: {  	v4, _, _ =	vpop (xrf0)  }
0x27d: {  	s4 =	simm.s32 $0x30;
	s7 =	spop (v2sf);
	v7, _, _ =	vpop (xrf0);
	(v2sf) =	vpush v4, $0xF  }
0x27e: {  	v3 =	vld [tilespmem:s4+$0x2600];
	v4, _, _ =	vpop (xrf0)  }
0x27f: {  	(v2sf) =	vpush v4, $0xF;
	_ =	sdelay $0x3  }
0x280: {  	vm2 =	vmmov vm0;
	vm0 =	veq.s32 v3, v0  }
0x281: {  	vm2 =	vmmov vm2;
	v11 =	vsel vm0, $0x1, v1;
	s7 =	ssub.s32 $0x64, s7  }
0x282: {  	vm1 =	vmmov vm1;
	(xrf0) =	vadd.scan.msk.s32 $0xffff, v11;
	v2 =	vmov s7;
	s7 =	simm.s32 $0x40;
	v11 =	vxor.u32 $0x80000000, v7  }
0x283: {  	s9 =	simm.s32 $0x0;
	s10 =	simm.s32 $0x140;
	vm2 =	vmmov vm2;
	vm3 =	vmmov vm1;
	vm1 =	vmmov vm4;
	v4 =	vld [tilespmem:s7+$0x2600];
	(xrf0) =	vmax.scan.msk.u32 $0xffff, v11  }
.LBB2_20:
0x284: {  	p1 =	sne.s32 s10, $0xFC0;
	v11 =	vsel vm2, $0xFFFFFFFF, v1;
	v12 =	vld [tilespmem:s8+$0xD70];
	vm4 =	vmmov vm2;
	vm2 =	vmmov vm3;
	s11 =	smov.u32 s6;
	s6 =	smov.u32 s5  }
0x285: {  	vm3 =	vmmov vm1;
	vm1 =	vmmov vm0;
	s5 =	smov.u32 s4;
	s4 =	smov.u32 s7;
	v11 =	vadd.s32 s9, v11  }
0x286: {  	v11 =	vadd.s32 v10, v11;
	v10 =	vmov v8;
	v8 =	vmov v7  }
.Ltmp11:
0x287: {  	vm5 =	vlt.s32 v11, v2;
	(pc) =	sbr.rel @p1 .LBB2_20-.Ltmp11, $4  }
0x288: {  	vm0 =	veq.s32 v4, v0;
	v7, _, _ =	vpop (xrf0);
	vm4 =	vmand vm4, vm5;
	vm5 =	vgt.s32 v9, v0  }
0x289: {  	v15 =	vsel vm0, $0x1, v1;
	v11, _, _ =	vpop (xrf0);
	vm4 =	vmor vm5, vm4;
	v13 =	vand.u32 $0xFFFFFFFE, v12;
	s12 =	spop (v2sf)  }
0x28a: {  	s7 =	sshra.s32 s10, $0x2;
	v9 =	vmovc v6;
	v14 =	vxor.u32 $0x80000000, v7;
	(xrf0) =	vadd.scan.msk.s32 $0xffff, v15;
	(v2sf) =	vpush v11, $0xF;
	v11 =	vsel vm4, v12, v13;
	s9 =	sadd.s32 s12, s9  }
0x28b: {  	s10 =	sadd.s32 $0x40, s10;
	v6 =	vmovc v5;
	v5 =	vmov v3;
	v3 =	vmov v4;
	(xrf0) =	vmax.scan.msk.u32 $0xffff, v14;
	[tilespmem:s8+$0xD70] =	vst v11;
	s9 =	sadd.s32 $0x80000000, s9;
	v4 =	vld [tilespmem:s7+$0x2600];
	s8 =	smov.u32 s11  }
0x28c: {  	v11 =	vsel vm2, $0xFFFFFFFF, v1;
	v12 =	vld [tilespmem:s8+$0xD70]  }
0x28d: {  	v11 =	vadd.s32 s9, v11  }
0x28e: {  	v10 =	vadd.s32 v10, v11  }
0x28f: {  	vm12 =	vmmov vm2;
	vm4 =	vlt.s32 v10, v2  }
0x290: {  	vm5 =	vgt.s32 v9, v0;
	vm4 =	vmand vm12, vm4  }
0x291: {  	vm13 =	veq.s32 v4, v0;
	v44, _, _ =	vpop (xrf0);
	vm4 =	vmor vm5, vm4;
	v45 =	vand.u32 $0xFFFFFFFE, v12  }
0x292: {  	vm3 =	vmmov vm3;
	s10 =	spop (v2sf);
	v46 =	vsel vm13, $0x1, v1;
	v13, _, _ =	vpop (xrf0);
	v10 =	vsel vm4, v12, v45  }
0x293: {  	s22 =	sadd.s32 s10, s9;
	v47 =	vxor.u32 $0x80000000, v44;
	(xrf0) =	vadd.scan.msk.s32 $0xffff, v46;
	(v2sf) =	vpush v13, $0xF;
	[tilespmem:s8+$0xD70] =	vst v10  }
0x294: {  	v48 =	vsel vm3, $0xFFFFFFFF, v1;
	s23 =	sadd.s32 $0x80000000, s22;
	(xrf0) =	vmax.scan.msk.u32 $0xffff, v47;
	v49 =	vld [tilespmem:s6+$0xD70]  }
0x295: {  	v10 =	vadd.s32 s23, v48  }
0x296: {  	v8 =	vadd.s32 v8, v10  }
0x297: {  	vm3 =	vmmov vm3;
	vm14 =	vlt.s32 v8, v2  }
0x298: {  	vm15 =	vgt.s32 v6, v0;
	vm3 =	vmand vm3, vm14  }
0x299: {  	vm3 =	vmor vm15, vm3;
	v50, _, _ =	vpop (xrf0);
	v51 =	vand.u32 $0xFFFFFFFE, v49  }
0x29a: {  	vm1 =	vmmov vm1;
	v52, _, _ =	vpop (xrf0);
	s24 =	spop (v2sf);
	v8 =	vsel vm3, v49, v51  }
0x29b: {  	vm1 =	vmmov vm1;
	(v2sf) =	vpush v52, $0xF;
	s8 =	sadd.s32 s24, s23;
	[tilespmem:s6+$0xD70] =	vst v8  }
0x29c: {  	v54 =	vsel vm1, $0xFFFFFFFF, v1;
	v53 =	vxor.u32 $0x80000000, v50;
	s25 =	sadd.s32 $0x80000000, s8;
	v55 =	vld [tilespmem:s5+$0xD70]  }
0x29d: {  	(xrf0) =	vmax.scan.msk.u32 $0xffff, v53;
	v56 =	vadd.s32 s25, v54  }
0x29e: {  	v7 =	vadd.s32 v7, v56  }
0x29f: {  	vm1 =	vmmov vm1;
	vm8 =	vlt.s32 v7, v2  }
0x2a0: {  	vm9 =	vgt.s32 v5, v0;
	vm1 =	vmand vm1, vm8  }
0x2a1: {  	vm0 =	vmmov vm0;
	vm1 =	vmor vm9, vm1;
	v57 =	vand.u32 $0xFFFFFFFE, v55  }
0x2a2: {  	vm0 =	vmmov vm0;
	s26 =	spop (v2sf);
	v5 =	vsel vm1, v55, v57  }
0x2a3: {  	vm0 =	vmmov vm0;
	v58, _, _ =	vpop (xrf0);
	s6 =	sadd.s32 s26, s25;
	[tilespmem:s5+$0xD70] =	vst v5  }
0x2a4: {  	v59 =	vsel vm0, $0xFFFFFFFF, v1;
	(v2sf) =	vpush v58, $0xF;
	s28 =	sadd.s32 $0x80000000, s6;
	v60 =	vld [tilespmem:s4+$0xD70]  }
0x2a5: {  	v5 =	vadd.s32 s28, v59  }
0x2a6: {  	v5 =	vadd.s32 v44, v5  }
0x2a7: {  	vm0 =	vmmov vm0;
	vm10 =	vlt.s32 v5, v2  }
0x2a8: {  	vm11 =	vgt.s32 v3, v0;
	vm0 =	vmand vm0, vm10  }
0x2a9: {  	vm2 =	vmmov vm13;
	vm0 =	vmor vm11, vm0;
	v61 =	vand.u32 $0xFFFFFFFE, v60  }
0x2aa: {  	vm12 =	vmmov vm2;
	s29 =	spop (v2sf);
	v3 =	vsel vm0, v60, v61  }
0x2ab: {  	vm13 =	vmmov vm12;
	s5 =	sadd.s32 s29, s28;
	[tilespmem:s4+$0xD70] =	vst v3  }
0x2ac: {  	v62 =	vsel vm13, $0xFFFFFFFF, v1;
	s30 =	sadd.s32 $0x80000000, s5;
	v3 =	vld [tilespmem:s7+$0xD70]  }
0x2ad: {  	v1 =	vadd.s32 s30, v62  }
0x2ae: {  	v1 =	vadd.s32 v50, v1  }
0x2af: {  	vm0 =	vmmov vm13;
	vm14 =	vlt.s32 v1, v2  }
0x2b0: {  	vm15 =	vgt.s32 v4, v0;
	vm0 =	vmand vm0, vm14  }
0x2b1: {  	vm0 =	vmor vm15, vm0;
	v63 =	vand.u32 $0xFFFFFFFE, v3  }
0x2b2: {  	v0 =	vsel vm0, v3, v63  }
0x2b3: {  	s31 =	spop (v2sf);
	[tilespmem:s7+$0xD70] =	vst v0  }
.LBB2_22:
0x2b4: {  	s4 =	simm.s32 $0x1  }
0x2b5: {  	_ =	swait.ge [sflag:s4], $0x3E8  }
0x2b6: {  	[sflag:s4] =	ssyncset.done $0x0  }
0x2b7: {  	s31 =	simm.s32 $0xDE0;
	[sflag:s4] =	ssyncadd.s32 $0xFFFFFC18  }
0x2b8: {  	v0 =	vld [tilespmem:s31+$0x0]  }
0x2b9: {  	v1 =	vld [tilespmem:s31+$0xFFFFFFA0]  }
0x2ba: {  	s6 =	simm.s32 $0x40;
	v2 =	vld [tilespmem:s31+$0xFFFFFFB0]  }
0x2bb: {  	v3 =	vld [tilespmem:s6+$0x30]  }
0x2bc: {  	v4 =	vld [tilespmem:s31+$0xFFFFFFC0]  }
0x2bd: {  	v5 =	vld [tilespmem:s31+$0xFFFFFFD0]  }
0x2be: {  	v6 =	vld [tilespmem:s31+$0xFFFFFFE0]  }
0x2bf: {  	v7 =	vld [tilespmem:s31+$0xFFFFFFF0]  }
0x2c0: {  	v8 =	vld [tilespmem:s6+$0xFFFFFFC0]  }
0x2c1: {  	v9 =	vld [tilespmem:s6+$0xFFFFFFD0]  }
0x2c2: {  	v10 =	vld [tilespmem:s6+$0xFFFFFFF0]  }
0x2c3: {  	s7 =	simm.s32 $0xE60;
	v59 =	vld [tilespmem:s6+$0x20]  }
0x2c4: {  	v60 =	vld [tilespmem:s7+$0xFFFFFFA0]  }
0x2c5: {  	v11 =	vld [tilespmem:s7+$0xFFFFFFB0];
	v0 =	vand.u32 $0x1, v0  }
0x2c6: {  	s5 =	simm.s32 $0xC0;
	vm1 =	veq.s32 v0, $0x1;
	v0 =	vld [tilespmem:s31+$0xFFFFFF90]  }
0x2c7: {  	p0 =	por !p0, !p0;
	vm0 =	vmxor vm0, vm0;
	v12 =	vld [tilespmem:s5+$0x30]  }
0x2c8: {  	vm0 =	vmneg @p0 vm0;
	v13 =	vld [tilespmem:s7+$0xFFFFFFC0]  }
0x2c9: {  	v61 =	vld [tilespmem:s7+$0xFFFFFFF0];
	vm3 =	vmor vm0, vm1  }
0x2ca: {  	v62 =	vld [tilespmem:s5+$0xFFFFFFC0];
	v1 =	vand.u32 $0x1, v1;
	v3 =	vnsel vm3, $0x0, v3  }
0x2cb: {  	s4 =	simm.s32 $0x440;
	vm1 =	veq.s32 v1, $0x1;
	v1 =	vld [tilespmem:s6+$0xFFFFFFE0];
	[tilespmem:s6+$0x30] =	vst v3;
	v0 =	vand.u32 $0x1, v0  }
0x2cc: {  	v2 =	vand.u32 $0x1, v2;
	vm2 =	vmor vm0, vm1;
	v3 =	vld [tilespmem:s4+$0x30];
	vm1 =	veq.s32 v0, $0x1  }
0x2cd: {  	v5 =	vand.u32 $0x1, v5;
	vm4 =	veq.s32 v2, $0x1;
	v2 =	vld [tilespmem:s6+$0x0];
	vm7 =	vmor vm0, vm1  }
0x2ce: {  	v63 =	vld [tilespmem:s5+$0xFFFFFFD0];
	v7 =	vand.u32 $0x1, v7;
	v0 =	vand.u32 $0x1, v4;
	v4 =	vnsel vm7, $0x0, v8  }
0x2cf: {  	vm4 =	vmor vm0, vm4;
	vm1 =	veq.s32 v0, $0x1;
	v0 =	vld [tilespmem:s6+$0x10];
	v8 =	vnsel vm2, $0x0, v9;
	[tilespmem:s6+$0xFFFFFFC0] =	vst v4  }
0x2d0: {  	v1 =	vnsel vm4, $0x0, v1;
	vm6 =	vmor vm0, vm1;
	vm1 =	veq.s32 v5, $0x1;
	[tilespmem:s6+$0xFFFFFFD0] =	vst v8;
	v8 =	vld [tilespmem:s7+$0x0]  }
0x2d1: {  	[tilespmem:s6+$0xFFFFFFE0] =	vst v1;
	v4 =	vand.u32 $0x1, v6;
	vm8 =	vmor vm0, vm1;
	v3 =	vnsel vm3, $0x0, v3;
	v5 =	vld [tilespmem:s4+$0xFFFFFFC0]  }
0x2d2: {  	vm1 =	veq.s32 v4, $0x1;
	v4 =	vnsel vm6, $0x0, v10;
	v1 =	vnsel vm8, $0x0, v2;
	v2 =	vld [tilespmem:s4+$0xFFFFFFE0];
	[tilespmem:s4+$0x30] =	vst v3  }
0x2d3: {  	v6 =	vld [tilespmem:s4+$0xFFFFFFD0];
	vm5 =	vmor vm0, vm1;
	[tilespmem:s6+$0xFFFFFFF0] =	vst v4;
	vm1 =	veq.s32 v7, $0x1  }
0x2d4: {  	[tilespmem:s6+$0x0] =	vst v1;
	v0 =	vnsel vm5, $0x0, v0;
	v4 =	vld [tilespmem:s4+$0xFFFFFFF0];
	vm1 =	vmor vm0, vm1  }
0x2d5: {  	v1 =	vld [tilespmem:s4+$0x0];
	[tilespmem:s6+$0x10] =	vst v0;
	v3 =	vnsel vm1, $0x0, v59;
	v8 =	vand.u32 $0x1, v8  }
0x2d6: {  	[tilespmem:s6+$0x20] =	vst v3;
	v3 =	vld [tilespmem:s7+$0xFFFFFF90];
	vm3 =	veq.s32 v8, $0x1;
	v5 =	vnsel vm7, $0x0, v5  }
0x2d7: {  	v0 =	vld [tilespmem:s4+$0x10];
	v2 =	vnsel vm4, $0x0, v2;
	vm3 =	vmor vm0, vm3;
	[tilespmem:s4+$0xFFFFFFC0] =	vst v5  }
0x2d8: {  	v7 =	vld [tilespmem:s7+$0xFFFFFFD0];
	[tilespmem:s4+$0xFFFFFFE0] =	vst v2;
	v12 =	vnsel vm3, $0x0, v12  }
0x2d9: {  	s6 =	simm.s32 $0x4C0;
	v8 =	vld [tilespmem:s7+$0xFFFFFFE0];
	v5 =	vnsel vm2, $0x0, v6;
	v2 =	vand.u32 $0x1, v11;
	[tilespmem:s5+$0x30] =	vst v12  }
0x2da: {  	[tilespmem:s4+$0xFFFFFFD0] =	vst v5;
	v4 =	vnsel vm6, $0x0, v4;
	v5 =	vand.u32 $0x1, v60;
	v1 =	vnsel vm8, $0x0, v1;
	v6 =	vld [tilespmem:s6+$0x30]  }
0x2db: {  	vm4 =	veq.s32 v2, $0x1;
	vm2 =	veq.s32 v5, $0x1;
	v5 =	vld [tilespmem:s5+$0xFFFFFFE0];
	v3 =	vand.u32 $0x1, v3  }
0x2dc: {  	v2 =	vand.u32 $0x1, v13;
	[tilespmem:s4+$0xFFFFFFF0] =	vst v4;
	v4 =	vld [tilespmem:s5+$0xFFFFFFF0];
	v0 =	vnsel vm5, $0x0, v0;
	vm5 =	veq.s32 v3, $0x1  }
0x2dd: {  	vm6 =	veq.s32 v2, $0x1;
	v2 =	vld [tilespmem:s5+$0x0];
	[tilespmem:s4+$0x10] =	vst v0;
	v0 =	vand.u32 $0x1, v7;
	vm7 =	vmor vm0, vm5  }
0x2de: {  	[tilespmem:s4+$0x0] =	vst v1;
	v3 =	vld [tilespmem:s5+$0x10];
	vm5 =	veq.s32 v0, $0x1;
	v0 =	vnsel vm7, $0x0, v62  }
0x2df: {  	vm2 =	vmor vm0, vm2;
	[tilespmem:s5+$0xFFFFFFC0] =	vst v0;
	v0 =	vld [tilespmem:s4+$0x20];
	v1 =	vnsel vm3, $0x0, v6  }
0x2e0: {  	v7 =	vnsel vm2, $0x0, v63;
	v6 =	vld [tilespmem:s5+$0x20];
	vm3 =	vmor vm0, vm4;
	[tilespmem:s6+$0x30] =	vst v1;
	v1 =	vand.u32 $0x1, v8  }
0x2e1: {  	[tilespmem:s5+$0xFFFFFFD0] =	vst v7;
	vm4 =	vmor vm0, vm6;
	vm8 =	veq.s32 v1, $0x1;
	v1 =	vnsel vm3, $0x0, v5;
	v5 =	vld [tilespmem:s6+$0xFFFFFFC0]  }
0x2e2: {  	v7 =	vand.u32 $0x1, v61;
	vm5 =	vmor vm0, vm5;
	v4 =	vnsel vm4, $0x0, v4;
	[tilespmem:s5+$0xFFFFFFE0] =	vst v1;
	v1 =	vld [tilespmem:s6+$0xFFFFFFD0]  }
0x2e3: {  	[tilespmem:s5+$0xFFFFFFF0] =	vst v4;
	vm6 =	vmor vm0, vm8;
	vm8 =	veq.s32 v7, $0x1;
	v7 =	vnsel vm5, $0x0, v2;
	v2 =	vld [tilespmem:s6+$0xFFFFFFE0]  }
0x2e4: {  	vm8 =	vmor vm0, vm8;
	v8 =	vnsel vm6, $0x0, v3;
	v3 =	vld [tilespmem:s6+$0xFFFFFFF0];
	[tilespmem:s5+$0x0] =	vst v7  }
0x2e5: {  	vm1 =	vmmov vm1;
	v7 =	vnsel vm8, $0x0, v6;
	v4 =	vld [tilespmem:s6+$0x0];
	[tilespmem:s5+$0x10] =	vst v8  }
0x2e6: {  	s8 =	simm.s32 $0xEE0;
	s7 =	simm.s32 $0x8;
	v0 =	vnsel vm1, $0x0, v0;
	vm1 =	vmmov vm8;
	[tilespmem:s5+$0x20] =	vst v7;
	v6 =	vnsel vm7, $0x0, v5;
	v5 =	vld [tilespmem:s6+$0x10]  }
.LBB2_23:
0x2e7: {  	v7 =	vld [tilespmem:s8+$0x0];
	s7 =	sadd.s32 $0x8, s7;
	[tilespmem:s6+$0xFFFFFFC0] =	vst v6;
	v1 =	vnsel vm2, $0x0, v1  }
0x2e8: {  	v6 =	vld [tilespmem:s8+$0xFFFFFFA0];
	p0 =	slt.u32 s7, $0x38;
	[tilespmem:s6+$0xFFFFFFD0] =	vst v1;
	v1 =	vnsel vm3, $0x0, v2  }
0x2e9: {  	s5 =	sadd.s32 $0x80, s5;
	v2 =	vld [tilespmem:s8+$0xFFFFFFB0];
	[tilespmem:s6+$0xFFFFFFE0] =	vst v1;
	v1 =	vnsel vm4, $0x0, v3  }
0x2ea: {  	v3 =	vld [tilespmem:s5+$0x30];
	[tilespmem:s6+$0xFFFFFFF0] =	vst v1;
	v1 =	vnsel vm5, $0x0, v4  }
0x2eb: {  	v4 =	vld [tilespmem:s8+$0xFFFFFFC0];
	[tilespmem:s6+$0x0] =	vst v1;
	v1 =	vnsel vm6, $0x0, v5  }
0x2ec: {  	v5 =	vld [tilespmem:s8+$0xFFFFFFD0];
	v7 =	vand.u32 $0x1, v7;
	[tilespmem:s6+$0x10] =	vst v1  }
0x2ed: {  	v1 =	vand.u32 $0x1, v6;
	v6 =	vld [tilespmem:s8+$0xFFFFFFE0];
	vm2 =	veq.s32 v7, $0x1;
	[tilespmem:s4+$0x20] =	vst v0;
	s4 =	smov.u32 s6  }
0x2ee: {  	vm3 =	veq.s32 v1, $0x1;
	v0 =	vand.u32 $0x1, v2;
	v1 =	vld [tilespmem:s8+$0xFFFFFFF0];
	vm7 =	vmor vm0, vm2  }
0x2ef: {  	v2 =	vld [tilespmem:s8+$0xFFFFFF90];
	vm2 =	vmor vm0, vm3;
	vm3 =	veq.s32 v0, $0x1;
	v0 =	vnsel vm7, $0x0, v3  }
0x2f0: {  	s6 =	sadd.s32 $0x80, s6;
	v3 =	vld [tilespmem:s5+$0xFFFFFFC0];
	vm3 =	vmor vm0, vm3;
	v4 =	vand.u32 $0x1, v4;
	[tilespmem:s5+$0x30] =	vst v0  }
0x2f1: {  	vm4 =	veq.s32 v4, $0x1;
	v0 =	vand.u32 $0x1, v5;
	v4 =	vld [tilespmem:s6+$0x30]  }
0x2f2: {  	v5 =	vld [tilespmem:s5+$0xFFFFFFD0];
	vm4 =	vmor vm0, vm4;
	vm5 =	veq.s32 v0, $0x1;
	v0 =	vand.u32 $0x1, v6  }
0x2f3: {  	v6 =	vld [tilespmem:s5+$0xFFFFFFE0];
	vm5 =	vmor vm0, vm5;
	vm6 =	veq.s32 v0, $0x1;
	v0 =	vand.u32 $0x1, v1  }
0x2f4: {  	v1 =	vand.u32 $0x1, v2;
	v2 =	vld [tilespmem:s5+$0xFFFFFFF0];
	vm6 =	vmor vm0, vm6;
	vm8 =	veq.s32 v0, $0x1  }
0x2f5: {  	vm10 =	veq.s32 v1, $0x1;
	v0 =	vld [tilespmem:s5+$0x0];
	vm9 =	vmor vm0, vm8  }
0x2f6: {  	vm8 =	vmor vm0, vm10;
	v7 =	vld [tilespmem:s5+$0x10];
	v1 =	vnsel vm7, $0x0, v4  }
0x2f7: {  	v3 =	vnsel vm8, $0x0, v3;
	v4 =	vnsel vm2, $0x0, v5;
	v5 =	vld [tilespmem:s5+$0x20];
	[tilespmem:s6+$0x30] =	vst v1  }
0x2f8: {  	[tilespmem:s5+$0xFFFFFFC0] =	vst v3;
	v3 =	vnsel vm3, $0x0, v6;
	v6 =	vld [tilespmem:s4+$0x20]  }
0x2f9: {  	v8 =	vld [tilespmem:s6+$0xFFFFFFC0];
	[tilespmem:s5+$0xFFFFFFD0] =	vst v4;
	v4 =	vnsel vm4, $0x0, v2  }
.Ltmp12:
0x2fa: {  	v1 =	vld [tilespmem:s6+$0xFFFFFFD0];
	[tilespmem:s5+$0xFFFFFFE0] =	vst v3;
	v0 =	vnsel vm5, $0x0, v0;
	(pc) =	sbr.rel @p0 .LBB2_23-.Ltmp12, $4  }
0x2fb: {  	v2 =	vld [tilespmem:s6+$0xFFFFFFE0];
	[tilespmem:s5+$0xFFFFFFF0] =	vst v4;
	v7 =	vnsel vm6, $0x0, v7  }
0x2fc: {  	v3 =	vld [tilespmem:s6+$0xFFFFFFF0];
	[tilespmem:s5+$0x0] =	vst v0;
	v9 =	vnsel vm9, $0x0, v5  }
0x2fd: {  	v4 =	vld [tilespmem:s6+$0x0];
	[tilespmem:s5+$0x10] =	vst v7;
	v0 =	vnsel vm1, $0x0, v6;
	vm1 =	vmmov vm9  }
0x2fe: {  	s8 =	sadd.s32 $0x80, s8;
	v6 =	vnsel vm8, $0x0, v8;
	v5 =	vld [tilespmem:s6+$0x10];
	[tilespmem:s5+$0x20] =	vst v9  }
0x2ff: {  	[tilespmem:s6+$0xFFFFFFC0] =	vst v6  }
0x300: {  	v1 =	vnsel vm2, $0x0, v1;
	v59 =	vld [tilespmem:s6+$0x20];
	[tilespmem:s4+$0x20] =	vst v0  }
0x301: {  	[tilespmem:s6+$0xFFFFFFD0] =	vst v1;
	v58 =	vnsel vm3, $0x0, v2  }
0x302: {  	[tilespmem:s6+$0xFFFFFFE0] =	vst v58;
	v60 =	vnsel vm4, $0x0, v3  }
0x303: {  	[tilespmem:s6+$0xFFFFFFF0] =	vst v60;
	v61 =	vnsel vm5, $0x0, v4  }
0x304: {  	[tilespmem:s6+$0x0] =	vst v61;
	v62 =	vnsel vm6, $0x0, v5  }
0x305: {  	[tilespmem:s6+$0x10] =	vst v62;
	v63 =	vnsel vm1, $0x0, v59  }
0x306: {  	s28 =	simm.s32 $0x0;
	[tilespmem:s6+$0x20] =	vst v63  }
0x307: {  	[hbm4b:s3+s28] =	stream.linear.scatter [tilespmem:s28], [sflag:$0x1], $0x3E8, $0x38;
	[tilespmem:$0x3600] =	vst v63  }
0x308: {  	s29 =	simm.s32 $0x400;
	s30 =	simm.s32 $0x2  }
0x309: {  	[hbm4b:s2+s28] =	stream.linear.scatter [tilespmem:s29], [sflag:$0x2], $0x3E8, $0x38;
	[tilespmem:$0x3600] =	vst v63  }
0x30a: {  	_ =	swait.ge [sflag:s30], $0x3E8  }
0x30b: {  	[sflag:s30] =	ssyncset.done $0x0  }
0x30c: {  	s31 =	simm.s32 $0x1;
	[sflag:s30] =	ssyncadd.s32 $0xFFFFFC18  }
0x30d: {  	_ =	swait.ge [sflag:s31], $0x3E8  }
0x30e: {  	[sflag:s31] =	ssyncset.done $0x0  }
0x30f: {  	[sflag:s31] =	ssyncadd.s32 $0xFFFFFC18  }
0x310: {  	_ =	sfence.sel $0x180000  }
0x311: {  	[bflag:$0x0] =	sbarrier.arrive $0xFFFF  }
0x312: {  	p0 =	sne.s32 s0, $0x0;
	_ =	strace $0x90000047  }
0x313: {  	s0 =	sadd.s32 @!p0 $0x100000, s1;
	[bflag:$0x2] =	sbarrier.arrive $0xFFFF  }
0x314: {  	[sflag:s0] =	ssyncadd.tile.s32 @!p0 $0x1;
	_ =	shalt  }
.Lfunc_end2:
_tile_overlayer_lowered:
.L_overlay_start_2:
0x315: {  	(tag) =	ssettag $0x2  }
0x316: {  	s0 =	rddreg [dreg:$0x0];
	s2 =	stileid.u32  }
0x317: {  	s1 =	rddreg [dreg:$0x1];
	p0 =	sne.s32 s2, $0x0  }
0x318: {  	s3 =	rddreg [dreg:$0x2];
	[bflag:$0x3] =	sbarrier.arrive $0xFFFF;
	s2 =	simm.s32 @!p0 $0x1C02  }
0x319: {  	[timem:s3], [sflag:s2] =	dma.local @!p0 [hbm:s0], s1  }
0x31a: {  	s0 =	simm.s32 @!p0 $0x2  }
0x31b: {  	_ =	swait.ge @!p0 [sflag:s0], s1  }
0x31c: {  	s1 =	ssub.s32 @!p0 $0x0, s1;
	[sflag:s0] =	ssyncset.done @!p0 $0x0  }
0x31d: {  	[sflag:s0] =	ssyncadd.s32 @!p0 s1  }
0x31e: {  	[bflag:$0x3] =	sbarrier.arrive $0xFFFF  }
0x31f: {  	_ =	shalt  }

</sc_bundles>
